<compile_context>
chip_gen: v7x
topology: tpu7x:2x2x1
jax: 0.10.2.dev20260603
libtpu: 0.0.44.dev20260713+nightly
codegen_flags: <defaults>
</compile_context>

<pallas_src>
import jax
import jax.numpy as jnp
from jax import lax
from jax.experimental import pallas as pl
from jax.experimental.pallas import tpu as pltpu
from jax.experimental.pallas import tpu_sc as plsc

_NUM_USERS = 500000
_NUM_ITEMS = 500000
_EMBED_DIM = 64
_BATCH = 16384

_NC = 2
_NS = 16
_LANES = 16
_NW = _NC * _NS
_B_PER_W = _BATCH // _NW

_BLK = 128
_G = 2
_NGRP = _B_PER_W // _G
_NPAIR = _NGRP // 2


def _sc_body(ids_hbm, user_hbm, item_hbm, out_hbm,
             ids_v, staged, outbuf, sem_a, sem_b):
    wid = lax.axis_index("s") * _NC + lax.axis_index("c")
    base = wid * _B_PER_W

    pltpu.sync_copy(ids_hbm.at[pl.ds(base, _B_PER_W)],
                    ids_v.at[pl.ds(0, _B_PER_W)])
    iota16 = lax.iota(jnp.int32, _LANES)

    def _id_fields(g):
        ids = ids_v[pl.ds(g * _G, _LANES)]
        is_item = ids > _NUM_USERS
        is_pad = ids == 0
        urow = jnp.clip(ids - 1, 0, _NUM_USERS - 1)
        irow = jnp.clip(ids - (_NUM_USERS + 1), 0, _NUM_ITEMS - 1)
        row = jnp.where(is_item, irow, urow)
        start = (row >> 7) << 7
        lane = row & jnp.int32(_BLK - 1)
        m = jnp.where(is_pad, jnp.float32(0.0), jnp.float32(1.0))
        sel = jnp.where(is_item, jnp.int32(1), jnp.int32(0))
        return start, lane, m, sel

    def _issue(g, half, sem):
        start, _, _, sel = _id_fields(g)
        for j in range(_G):
            st = pl.multiple_of(start[j], _BLK)
            s = sel[j]

            @pl.when(s != 0)
            def _():
                pltpu.async_copy(item_hbm.at[:, pl.ds(st, _BLK)],
                                 staged.at[half, j], sem)

            @pl.when(s == 0)
            def _():
                pltpu.async_copy(user_hbm.at[:, pl.ds(st, _BLK)],
                                 staged.at[half, j], sem)

    def _drain(half, sem):
        for j in range(_G):
            pltpu.make_async_copy(user_hbm.at[:, pl.ds(0, _BLK)],
                                  staged.at[half, j], sem).wait()

    def _process(g, half):
        _, lane, m, _ = _id_fields(g)
        for j in range(_G):
            lj = jnp.broadcast_to(lane[j], (_LANES,))
            mj = jnp.broadcast_to(m[j], (_LANES,))
            r = g * _G + j
            for c in range(_EMBED_DIM // _LANES):
                ev = iota16 + (c * _LANES)
                vals = plsc.load_gather(staged.at[half, j], [ev, lj])
                outbuf[r, pl.ds(c * _LANES, _LANES)] = vals * mj

    @pl.loop(-1, _NPAIR)
    def _pairs(t):
        g0 = 2 * t

        @pl.when(t >= 0)
        def _():
            _drain(0, sem_a)
            _process(g0, 0)

        _issue(jnp.clip(g0 + 2, 0, _NGRP - 1), 0, sem_a)

        @pl.when(t >= 0)
        def _():
            _drain(1, sem_b)
            _process(g0 + 1, 1)

        _issue(jnp.clip(g0 + 3, 1, _NGRP - 1), 1, sem_b)

    _drain(0, sem_a)
    _drain(1, sem_b)

    pltpu.sync_copy(outbuf, out_hbm.at[pl.ds(base, _B_PER_W)])


@jax.jit
def _hybrid_features(ids32, user_emb_t, item_emb_t):
    mesh = plsc.VectorSubcoreMesh(
        core_axis_name="c", subcore_axis_name="s",
        num_cores=_NC, num_subcores=_NS)
    return pl.kernel(
        _sc_body,
        out_type=jax.ShapeDtypeStruct((_BATCH, _EMBED_DIM), jnp.float32),
        mesh=mesh,
        compiler_params=pltpu.CompilerParams(needs_layout_passes=False),
        scratch_types=[
            pltpu.VMEM((_B_PER_W + _LANES,), jnp.int32),
            pltpu.VMEM((2, _G, _EMBED_DIM, _BLK), jnp.float32),
            pltpu.VMEM((_B_PER_W, _EMBED_DIM), jnp.float32),
            pltpu.SemaphoreType.DMA,
            pltpu.SemaphoreType.DMA,
        ],
    )(ids32, user_emb_t, item_emb_t)


def kernel(node_ids, user_emb, item_emb):
    ids32 = node_ids.astype(jnp.int32)
    return _hybrid_features(ids32, user_emb.T, item_emb.T)

# --- scband reference (transcript-rebuilt; emitter-appended) ---
"""Pipeline reference for scband-hybrid-node-features-77421080477888 (READ-ONLY COPY).

The authoritative reference and input builder live on the scoring server;
editing this copy changes nothing except your own understanding.
"""

import jax, jax.numpy as jnp
import numpy as np

NUM_USERS = 500000
NUM_ITEMS = 500000
EMBED_DIM = 64
BATCH = 16384


def _xavier_uniform(key, shape):
    fan_in, fan_out = shape[0], shape[1]
    bound = float(np.sqrt(6.0 / (fan_in + fan_out)))
    return jax.random.uniform(key, shape, minval=-bound, maxval=bound, dtype=jnp.float32)


def setup_inputs(seed: int = 0) -> dict:
    key = jax.random.key(seed)
    k1, k2, k3 = jax.random.split(key, 3)
    # node ids in [0, num_users + num_items); 0 == padding per TGN convention
    node_ids = jax.random.randint(k1, (BATCH,), 0, NUM_USERS + NUM_ITEMS, dtype=jnp.int64)
    user_emb = _xavier_uniform(k2, (NUM_USERS, EMBED_DIM))
    item_emb = _xavier_uniform(k3, (NUM_ITEMS, EMBED_DIM))
    return {"node_ids": node_ids, "user_emb": user_emb, "item_emb": item_emb}


def reference(node_ids, user_emb, item_emb):
    # 1-based indexing: 0 -> padding (zeros), [1, num_users] -> users,
    # (num_users, num_users+num_items] -> items (use_random_items=True branch)
    is_user = (node_ids >= 1) & (node_ids <= NUM_USERS)
    is_item = node_ids > NUM_USERS
    user_idx = jnp.clip(node_ids - 1, 0, NUM_USERS - 1)
    item_idx = jnp.clip(node_ids - NUM_USERS - 1, 0, NUM_ITEMS - 1)
    user_feats = jnp.take(user_emb, user_idx, axis=0)
    item_feats = jnp.take(item_emb, item_idx, axis=0)
    zeros = jnp.zeros_like(user_feats)
    features = jnp.where(is_user[:, None], user_feats,
                         jnp.where(is_item[:, None], item_feats, zeros))
    return features

if __name__ == "__main__":
    import jax
    _d = setup_inputs()
    print(jax.jit(kernel)(*tuple(_d.values())))

</pallas_src>

<mosaic_0001>
#map = affine_map<(d0, d1) -> (0)>
#map1 = affine_map<(d0, d1) -> (0, 0)>
module attributes {stable_mosaic.version = 14 : i64} {
  func.func @_sc_body(%arg0: i32, %arg1: i32, %arg2: memref<16384xi32, #tpu.memory_space<hbm>>, %arg3: memref<64x500000xf32, #tpu.memory_space<hbm>>, %arg4: memref<64x500000xf32, #tpu.memory_space<hbm>>, %arg5: memref<16384x64xf32, #tpu.memory_space<hbm>>, %arg6: memref<528xi32, #tpu.memory_space<vmem>>, %arg7: memref<2x2x64x128xf32, #tpu.memory_space<vmem>>, %arg8: memref<512x64xf32, #tpu.memory_space<vmem>>, %arg9: memref<!tpu.dma_semaphore, #tpu.memory_space<semaphore_mem>>, %arg10: memref<!tpu.dma_semaphore, #tpu.memory_space<semaphore_mem>>) attributes {dimension_semantics = [#tpu.dimension_semantics<core_parallel>, #tpu.dimension_semantics<subcore_parallel>], iteration_bounds = array<i64: 2, 16>, scalar_prefetch = 0 : i64, scratch_operands = 5 : i64, tpu.core_type = #tpu.core_type<sc_vector_subcore>, window_params = [{transform_indices = #map}, {transform_indices = #map1}, {transform_indices = #map1}, {transform_indices = #map1}]} {
    %mul3A = arith.constant 2 : i32
    %mul3A_0 = arith.muli %arg1, %mul3A : i32
    %add3A = arith.addi %mul3A_0, %arg0 : i32
    %mul3A_1 = arith.constant 512 : i32
    %mul3A_2 = arith.muli %add3A, %mul3A_1 : i32
    "tpu.region"() ({
      %run_scoped3A = tpu.sem_alloc : memref<!tpu.dma_semaphore, #tpu.memory_space<semaphore_mem>>
      %dma_start3A = arith.constant 0 : i32
      %dma_start3A_70 = tpu.memref_slice %arg6[%dma_start3A] : memref<528xi32, #tpu.memory_space<vmem>> -> memref<512xi32, #tpu.memory_space<vmem>>
      %dma_start3A_71 = tpu.memref_slice %arg2[%mul3A_2] : memref<16384xi32, #tpu.memory_space<hbm>> -> memref<512xi32, #tpu.memory_space<hbm>>
      %dma_start3A_72 = arith.constant 0 : i32
      %dma_start3A_73 = tpu.memref_slice %arg6[%dma_start3A_72] : memref<528xi32, #tpu.memory_space<vmem>> -> memref<512xi32, #tpu.memory_space<vmem>>
      %dma_start3A_74 = tpu.memref_slice %arg2[%mul3A_2] : memref<16384xi32, #tpu.memory_space<hbm>> -> memref<512xi32, #tpu.memory_space<hbm>>
      tpu.enqueue_dma source(%dma_start3A_74 : memref<512xi32, #tpu.memory_space<hbm>>) target(%dma_start3A_73 : memref<512xi32, #tpu.memory_space<vmem>>) target_semaphore(%run_scoped3A : memref<!tpu.dma_semaphore, #tpu.memory_space<semaphore_mem>>)
      %dma_wait3A_75 = arith.constant 0 : i32
      %dma_wait3A_76 = tpu.memref_slice %arg6[%dma_wait3A_75] : memref<528xi32, #tpu.memory_space<vmem>> -> memref<512xi32, #tpu.memory_space<vmem>>
      %dma_wait3A_77 = tpu.memref_slice %arg2[%mul3A_2] : memref<16384xi32, #tpu.memory_space<hbm>> -> memref<512xi32, #tpu.memory_space<hbm>>
      %dma_wait3A_78 = arith.constant 0 : i32
      %dma_wait3A_79 = tpu.memref_slice %arg6[%dma_wait3A_78] : memref<528xi32, #tpu.memory_space<vmem>> -> memref<512xi32, #tpu.memory_space<vmem>>
      %dma_wait3A_80 = tpu.memref_slice %arg2[%mul3A_2] : memref<16384xi32, #tpu.memory_space<hbm>> -> memref<512xi32, #tpu.memory_space<hbm>>
      tpu.wait_dma2 semaphore(%run_scoped3A : memref<!tpu.dma_semaphore, #tpu.memory_space<semaphore_mem>>) src(%dma_wait3A_80 : memref<512xi32, #tpu.memory_space<hbm>>) dst(%dma_wait3A_79 : memref<512xi32, #tpu.memory_space<vmem>>)
      tpu.yield
    }) : () -> ()
    %iota3A = tpu.iota {dimensions = array<i32: 0>} : vector<16xi32>
    %scan3A = arith.constant 0 : i32
    %scan3A_3 = arith.constant 129 : i32
    %scan3A_4 = arith.addi %scan3A, %scan3A_3 : i32
    %scan3A_5 = arith.constant 1 : i32
    scf.for %scan3A_70 = %scan3A to %scan3A_4 step %scan3A_5  : i32 {
      %mul3A_71 = arith.constant 1 : i32
      %mul3A_72 = arith.muli %scan3A_70, %mul3A_71 : i32
      %add3A_73 = arith.constant -1 : i32
      %add3A_74 = arith.addi %add3A_73, %mul3A_72 : i32
      %mul3A_75 = arith.constant 2 : i32
      %mul3A_76 = arith.muli %mul3A_75, %add3A_74 : i32
      %ge3A = arith.constant 0 : i32
      %ge3A_77 = arith.cmpi sge, %add3A_74, %ge3A : i32
      %convert_element_type3A = arith.extui %ge3A_77 : i1 to i32
      %cond3A = arith.constant 0 : i32
      %cond3A_78 = arith.cmpi ne, %convert_element_type3A, %cond3A : i32
      scf.if %cond3A_78 {
        %dma_wait3A_236 = arith.constant 0 : i32
        %dma_wait3A_237 = arith.constant 0 : i32
        %dma_wait3A_238 = arith.constant 0 : i32
        %dma_wait3A_239 = arith.constant 0 : i32
        %dma_wait3A_240 = tpu.memref_slice %arg7[%dma_wait3A_236, %dma_wait3A_237, %dma_wait3A_238, %dma_wait3A_239] : memref<2x2x64x128xf32, #tpu.memory_space<vmem>> -> memref<1x1x64x128xf32, #tpu.memory_space<vmem>>
        %dma_wait3A_241 = tpu.memref_squeeze %dma_wait3A_240 : memref<1x1x64x128xf32, #tpu.memory_space<vmem>> -> memref<64x128xf32, #tpu.memory_space<vmem>>
        %dma_wait3A_242 = arith.constant 0 : i32
        %dma_wait3A_243 = arith.constant 0 : i32
        %dma_wait3A_244 = tpu.memref_slice %arg3[%dma_wait3A_242, %dma_wait3A_243] : memref<64x500000xf32, #tpu.memory_space<hbm>> -> memref<64x128xf32, #tpu.memory_space<hbm>>
        %dma_wait3A_245 = arith.constant 0 : i32
        %dma_wait3A_246 = arith.constant 0 : i32
        %dma_wait3A_247 = tpu.memref_slice %arg7[%dma_wait3A_236, %dma_wait3A_237, %dma_wait3A_245, %dma_wait3A_246] : memref<2x2x64x128xf32, #tpu.memory_space<vmem>> -> memref<1x1x64x128xf32, #tpu.memory_space<vmem>>
        %dma_wait3A_248 = tpu.memref_squeeze %dma_wait3A_247 : memref<1x1x64x128xf32, #tpu.memory_space<vmem>> -> memref<64x128xf32, #tpu.memory_space<vmem>>
        %dma_wait3A_249 = arith.constant 0 : i32
        %dma_wait3A_250 = arith.constant 0 : i32
        %dma_wait3A_251 = tpu.memref_slice %arg3[%dma_wait3A_249, %dma_wait3A_250] : memref<64x500000xf32, #tpu.memory_space<hbm>> -> memref<64x128xf32, #tpu.memory_space<hbm>>
        tpu.wait_dma2 semaphore(%arg9 : memref<!tpu.dma_semaphore, #tpu.memory_space<semaphore_mem>>) src(%dma_wait3A_251 : memref<64x128xf32, #tpu.memory_space<hbm>>) dst(%dma_wait3A_248 : memref<64x128xf32, #tpu.memory_space<vmem>>)
        %dma_wait3A_252 = arith.constant 0 : i32
        %dma_wait3A_253 = arith.constant 1 : i32
        %dma_wait3A_254 = arith.constant 0 : i32
        %dma_wait3A_255 = arith.constant 0 : i32
        %dma_wait3A_256 = tpu.memref_slice %arg7[%dma_wait3A_252, %dma_wait3A_253, %dma_wait3A_254, %dma_wait3A_255] : memref<2x2x64x128xf32, #tpu.memory_space<vmem>> -> memref<1x1x64x128xf32, #tpu.memory_space<vmem>>
        %dma_wait3A_257 = tpu.memref_squeeze %dma_wait3A_256 : memref<1x1x64x128xf32, #tpu.memory_space<vmem>> -> memref<64x128xf32, #tpu.memory_space<vmem>>
        %dma_wait3A_258 = arith.constant 0 : i32
        %dma_wait3A_259 = arith.constant 0 : i32
        %dma_wait3A_260 = tpu.memref_slice %arg3[%dma_wait3A_258, %dma_wait3A_259] : memref<64x500000xf32, #tpu.memory_space<hbm>> -> memref<64x128xf32, #tpu.memory_space<hbm>>
        %dma_wait3A_261 = arith.constant 0 : i32
        %dma_wait3A_262 = arith.constant 0 : i32
        %dma_wait3A_263 = tpu.memref_slice %arg7[%dma_wait3A_252, %dma_wait3A_253, %dma_wait3A_261, %dma_wait3A_262] : memref<2x2x64x128xf32, #tpu.memory_space<vmem>> -> memref<1x1x64x128xf32, #tpu.memory_space<vmem>>
        %dma_wait3A_264 = tpu.memref_squeeze %dma_wait3A_263 : memref<1x1x64x128xf32, #tpu.memory_space<vmem>> -> memref<64x128xf32, #tpu.memory_space<vmem>>
        %dma_wait3A_265 = arith.constant 0 : i32
        %dma_wait3A_266 = arith.constant 0 : i32
        %dma_wait3A_267 = tpu.memref_slice %arg3[%dma_wait3A_265, %dma_wait3A_266] : memref<64x500000xf32, #tpu.memory_space<hbm>> -> memref<64x128xf32, #tpu.memory_space<hbm>>
        tpu.wait_dma2 semaphore(%arg9 : memref<!tpu.dma_semaphore, #tpu.memory_space<semaphore_mem>>) src(%dma_wait3A_267 : memref<64x128xf32, #tpu.memory_space<hbm>>) dst(%dma_wait3A_264 : memref<64x128xf32, #tpu.memory_space<vmem>>)
        %mul3A_268 = arith.constant 2 : i32
        %mul3A_269 = arith.muli %mul3A_76, %mul3A_268 : i32
        %get3A_270 = arith.index_cast %mul3A_269 : i32 to index
        %get3A_271 = tpu.vector_load %arg6[%get3A_270] {strides = array<i32>} : memref<528xi32, #tpu.memory_space<vmem>>, vector<16xi32>,
        %gt3A_272 = arith.constant 500000 : i32
        %gt3A_273 = vector.broadcast %gt3A_272 : i32 to vector<16xi32>
        %gt3A_274 = arith.cmpi sgt, %get3A_271, %gt3A_273 : vector<16xi32>
        %eq3A_275 = arith.constant 0 : i32
        %eq3A_276 = vector.broadcast %eq3A_275 : i32 to vector<16xi32>
        %eq3A_277 = arith.cmpi eq, %get3A_271, %eq3A_276 : vector<16xi32>
        %sub3A_278 = arith.constant 1 : i32
        %sub3A_279 = vector.broadcast %sub3A_278 : i32 to vector<16xi32>
        %sub3A_280 = arith.subi %get3A_271, %sub3A_279 : vector<16xi32>
        %jit3A_281 = arith.constant 0 : i32
        %jit3A_282 = arith.constant 499999 : i32
        %max3A_283 = vector.broadcast %jit3A_281 : i32 to vector<16xi32>
        %max3A_284 = arith.maxsi %max3A_283, %sub3A_280 : vector<16xi32>
        %min3A_285 = vector.broadcast %jit3A_282 : i32 to vector<16xi32>
        %min3A_286 = arith.minsi %min3A_285, %max3A_284 : vector<16xi32>
        %sub3A_287 = arith.constant 500001 : i32
        %sub3A_288 = vector.broadcast %sub3A_287 : i32 to vector<16xi32>
        %sub3A_289 = arith.subi %get3A_271, %sub3A_288 : vector<16xi32>
        %jit3A_290 = arith.constant 0 : i32
        %jit3A_291 = arith.constant 499999 : i32
        %max3A_292 = vector.broadcast %jit3A_290 : i32 to vector<16xi32>
        %max3A_293 = arith.maxsi %max3A_292, %sub3A_289 : vector<16xi32>
        %min3A_294 = vector.broadcast %jit3A_291 : i32 to vector<16xi32>
        %min3A_295 = arith.minsi %min3A_294, %max3A_293 : vector<16xi32>
        %select_n3A_296 = arith.select %gt3A_274, %min3A_295, %min3A_286 : vector<16xi1>, vector<16xi32>
        %shift_right_arithmetic3A_297 = arith.constant 7 : i32
        %shift_right_arithmetic3A_298 = vector.broadcast %shift_right_arithmetic3A_297 : i32 to vector<16xi32>
        %shift_right_arithmetic3A_299 = arith.shrsi %select_n3A_296, %shift_right_arithmetic3A_298 : vector<16xi32>
        %shift_left3A_300 = arith.constant 7 : i32
        %shift_left3A_301 = vector.broadcast %shift_left3A_300 : i32 to vector<16xi32>
        %shift_left3A_302 = arith.shli %shift_right_arithmetic3A_299, %shift_left3A_301 : vector<16xi32>
        %and3A_303 = arith.constant 127 : i32
        %and3A_304 = vector.broadcast %and3A_303 : i32 to vector<16xi32>
        %and3A_305 = arith.andi %select_n3A_296, %and3A_304 : vector<16xi32>
        %jit3A_306 = arith.constant 0.000000e+00 : f32
        %jit3A_307 = arith.constant 1.000000e+00 : f32
        %broadcast_in_dim3A_308 = vector.broadcast %jit3A_306 : f32 to vector<16xf32>
        %broadcast_in_dim3A_309 = vector.broadcast %jit3A_307 : f32 to vector<16xf32>
        %select_n3A_310 = arith.select %eq3A_277, %broadcast_in_dim3A_308, %broadcast_in_dim3A_309 : vector<16xi1>, vector<16xf32>
        %jit3A_311 = arith.constant 1 : i32
        %jit3A_312 = arith.constant 0 : i32
        %broadcast_in_dim3A_313 = vector.broadcast %jit3A_311 : i32 to vector<16xi32>
        %broadcast_in_dim3A_314 = vector.broadcast %jit3A_312 : i32 to vector<16xi32>
        %select_n3A_315 = arith.select %gt3A_274, %broadcast_in_dim3A_313, %broadcast_in_dim3A_314 : vector<16xi1>, vector<16xi32>
        %slice3A_316 = vector.extract_strided_slice %and3A_305 {offsets = [0], sizes = [1], strides = [1]} : vector<16xi32> to vector<1xi32>
        %squeeze3A_317 = vector.extract %slice3A_316[0] : i32 from vector<1xi32>
        %broadcast_in_dim3A_318 = vector.broadcast %squeeze3A_317 : i32 to vector<16xi32>
        %slice3A_319 = vector.extract_strided_slice %select_n3A_310 {offsets = [0], sizes = [1], strides = [1]} : vector<16xf32> to vector<1xf32>
        %squeeze3A_320 = vector.extract %slice3A_319[0] : f32 from vector<1xf32>
        %broadcast_in_dim3A_321 = vector.broadcast %squeeze3A_320 : f32 to vector<16xf32>
        %mul3A_322 = arith.constant 2 : i32
        %mul3A_323 = arith.muli %mul3A_76, %mul3A_322 : i32
        %add3A_324 = arith.constant 0 : i32
        %add3A_325 = arith.addi %mul3A_323, %add3A_324 : i32
        %add3A_326 = arith.constant 0 : i32
        %add3A_327 = vector.broadcast %add3A_326 : i32 to vector<16xi32>
        %add3A_328 = arith.addi %iota3A, %add3A_327 : vector<16xi32>
        %gather3A = arith.constant 0 : i32
        %gather3A_329 = arith.constant 0 : i32
        %gather3A_330 = arith.constant 0 : i32
        %gather3A_331 = arith.constant 0 : i32
        %gather3A_332 = tpu.memref_slice %arg7[%gather3A, %gather3A_329, %gather3A_330, %gather3A_331] : memref<2x2x64x128xf32, #tpu.memory_space<vmem>> -> memref<1x1x64x128xf32, #tpu.memory_space<vmem>>
        %gather3A_333 = tpu.memref_squeeze %gather3A_332 : memref<1x1x64x128xf32, #tpu.memory_space<vmem>> -> memref<64x128xf32, #tpu.memory_space<vmem>>
        %gather3A_334 = tpu.vector_load_idx %gather3A_333[%add3A_328, %broadcast_in_dim3A_318] : memref<64x128xf32, #tpu.memory_space<vmem>>[vector<16xi32>, vector<16xi32>], vector<16xf32>,
        %mul3A_335 = arith.mulf %gather3A_334, %broadcast_in_dim3A_321 : vector<16xf32>
        %swap3A = arith.index_cast %add3A_325 : i32 to index
        %swap3A_336 = arith.constant 0 : index
        %swap3A_337 = tpu.vector_load %arg8[%swap3A, %swap3A_336] {strides = array<i32>} : memref<512x64xf32, #tpu.memory_space<vmem>>, vector<16xf32>,
        tpu.vector_store %arg8[%swap3A, %swap3A_336], %mul3A_335 {strides = array<i32>} : memref<512x64xf32, #tpu.memory_space<vmem>>, vector<16xf32>,
        %add3A_338 = arith.constant 16 : i32
        %add3A_339 = vector.broadcast %add3A_338 : i32 to vector<16xi32>
        %add3A_340 = arith.addi %iota3A, %add3A_339 : vector<16xi32>
        %gather3A_341 = arith.constant 0 : i32
        %gather3A_342 = arith.constant 0 : i32
        %gather3A_343 = arith.constant 0 : i32
        %gather3A_344 = arith.constant 0 : i32
        %gather3A_345 = tpu.memref_slice %arg7[%gather3A_341, %gather3A_342, %gather3A_343, %gather3A_344] : memref<2x2x64x128xf32, #tpu.memory_space<vmem>> -> memref<1x1x64x128xf32, #tpu.memory_space<vmem>>
        %gather3A_346 = tpu.memref_squeeze %gather3A_345 : memref<1x1x64x128xf32, #tpu.memory_space<vmem>> -> memref<64x128xf32, #tpu.memory_space<vmem>>
        %gather3A_347 = tpu.vector_load_idx %gather3A_346[%add3A_340, %broadcast_in_dim3A_318] : memref<64x128xf32, #tpu.memory_space<vmem>>[vector<16xi32>, vector<16xi32>], vector<16xf32>,
        %mul3A_348 = arith.mulf %gather3A_347, %broadcast_in_dim3A_321 : vector<16xf32>
        %swap3A_349 = arith.index_cast %add3A_325 : i32 to index
        %swap3A_350 = arith.constant 16 : index
        %swap3A_351 = tpu.vector_load %arg8[%swap3A_349, %swap3A_350] {strides = array<i32>} : memref<512x64xf32, #tpu.memory_space<vmem>>, vector<16xf32>,
        tpu.vector_store %arg8[%swap3A_349, %swap3A_350], %mul3A_348 {strides = array<i32>} : memref<512x64xf32, #tpu.memory_space<vmem>>, vector<16xf32>,
        %add3A_352 = arith.constant 32 : i32
        %add3A_353 = vector.broadcast %add3A_352 : i32 to vector<16xi32>
        %add3A_354 = arith.addi %iota3A, %add3A_353 : vector<16xi32>
        %gather3A_355 = arith.constant 0 : i32
        %gather3A_356 = arith.constant 0 : i32
        %gather3A_357 = arith.constant 0 : i32
        %gather3A_358 = arith.constant 0 : i32
        %gather3A_359 = tpu.memref_slice %arg7[%gather3A_355, %gather3A_356, %gather3A_357, %gather3A_358] : memref<2x2x64x128xf32, #tpu.memory_space<vmem>> -> memref<1x1x64x128xf32, #tpu.memory_space<vmem>>
        %gather3A_360 = tpu.memref_squeeze %gather3A_359 : memref<1x1x64x128xf32, #tpu.memory_space<vmem>> -> memref<64x128xf32, #tpu.memory_space<vmem>>
        %gather3A_361 = tpu.vector_load_idx %gather3A_360[%add3A_354, %broadcast_in_dim3A_318] : memref<64x128xf32, #tpu.memory_space<vmem>>[vector<16xi32>, vector<16xi32>], vector<16xf32>,
        %mul3A_362 = arith.mulf %gather3A_361, %broadcast_in_dim3A_321 : vector<16xf32>
        %swap3A_363 = arith.index_cast %add3A_325 : i32 to index
        %swap3A_364 = arith.constant 32 : index
        %swap3A_365 = tpu.vector_load %arg8[%swap3A_363, %swap3A_364] {strides = array<i32>} : memref<512x64xf32, #tpu.memory_space<vmem>>, vector<16xf32>,
        tpu.vector_store %arg8[%swap3A_363, %swap3A_364], %mul3A_362 {strides = array<i32>} : memref<512x64xf32, #tpu.memory_space<vmem>>, vector<16xf32>,
        %add3A_366 = arith.constant 48 : i32
        %add3A_367 = vector.broadcast %add3A_366 : i32 to vector<16xi32>
        %add3A_368 = arith.addi %iota3A, %add3A_367 : vector<16xi32>
        %gather3A_369 = arith.constant 0 : i32
        %gather3A_370 = arith.constant 0 : i32
        %gather3A_371 = arith.constant 0 : i32
        %gather3A_372 = arith.constant 0 : i32
        %gather3A_373 = tpu.memref_slice %arg7[%gather3A_369, %gather3A_370, %gather3A_371, %gather3A_372] : memref<2x2x64x128xf32, #tpu.memory_space<vmem>> -> memref<1x1x64x128xf32, #tpu.memory_space<vmem>>
        %gather3A_374 = tpu.memref_squeeze %gather3A_373 : memref<1x1x64x128xf32, #tpu.memory_space<vmem>> -> memref<64x128xf32, #tpu.memory_space<vmem>>
        %gather3A_375 = tpu.vector_load_idx %gather3A_374[%add3A_368, %broadcast_in_dim3A_318] : memref<64x128xf32, #tpu.memory_space<vmem>>[vector<16xi32>, vector<16xi32>], vector<16xf32>,
        %mul3A_376 = arith.mulf %gather3A_375, %broadcast_in_dim3A_321 : vector<16xf32>
        %swap3A_377 = arith.index_cast %add3A_325 : i32 to index
        %swap3A_378 = arith.constant 48 : index
        %swap3A_379 = tpu.vector_load %arg8[%swap3A_377, %swap3A_378] {strides = array<i32>} : memref<512x64xf32, #tpu.memory_space<vmem>>, vector<16xf32>,
        tpu.vector_store %arg8[%swap3A_377, %swap3A_378], %mul3A_376 {strides = array<i32>} : memref<512x64xf32, #tpu.memory_space<vmem>>, vector<16xf32>,
        %slice3A_380 = vector.extract_strided_slice %and3A_305 {offsets = [1], sizes = [1], strides = [1]} : vector<16xi32> to vector<1xi32>
        %squeeze3A_381 = vector.extract %slice3A_380[0] : i32 from vector<1xi32>
        %broadcast_in_dim3A_382 = vector.broadcast %squeeze3A_381 : i32 to vector<16xi32>
        %slice3A_383 = vector.extract_strided_slice %select_n3A_310 {offsets = [1], sizes = [1], strides = [1]} : vector<16xf32> to vector<1xf32>
        %squeeze3A_384 = vector.extract %slice3A_383[0] : f32 from vector<1xf32>
        %broadcast_in_dim3A_385 = vector.broadcast %squeeze3A_384 : f32 to vector<16xf32>
        %mul3A_386 = arith.constant 2 : i32
        %mul3A_387 = arith.muli %mul3A_76, %mul3A_386 : i32
        %add3A_388 = arith.constant 1 : i32
        %add3A_389 = arith.addi %mul3A_387, %add3A_388 : i32
        %add3A_390 = arith.constant 0 : i32
        %add3A_391 = vector.broadcast %add3A_390 : i32 to vector<16xi32>
        %add3A_392 = arith.addi %iota3A, %add3A_391 : vector<16xi32>
        %gather3A_393 = arith.constant 0 : i32
        %gather3A_394 = arith.constant 1 : i32
        %gather3A_395 = arith.constant 0 : i32
        %gather3A_396 = arith.constant 0 : i32
        %gather3A_397 = tpu.memref_slice %arg7[%gather3A_393, %gather3A_394, %gather3A_395, %gather3A_396] : memref<2x2x64x128xf32, #tpu.memory_space<vmem>> -> memref<1x1x64x128xf32, #tpu.memory_space<vmem>>
        %gather3A_398 = tpu.memref_squeeze %gather3A_397 : memref<1x1x64x128xf32, #tpu.memory_space<vmem>> -> memref<64x128xf32, #tpu.memory_space<vmem>>
        %gather3A_399 = tpu.vector_load_idx %gather3A_398[%add3A_392, %broadcast_in_dim3A_382] : memref<64x128xf32, #tpu.memory_space<vmem>>[vector<16xi32>, vector<16xi32>], vector<16xf32>,
        %mul3A_400 = arith.mulf %gather3A_399, %broadcast_in_dim3A_385 : vector<16xf32>
        %swap3A_401 = arith.index_cast %add3A_389 : i32 to index
        %swap3A_402 = arith.constant 0 : index
        %swap3A_403 = tpu.vector_load %arg8[%swap3A_401, %swap3A_402] {strides = array<i32>} : memref<512x64xf32, #tpu.memory_space<vmem>>, vector<16xf32>,
        tpu.vector_store %arg8[%swap3A_401, %swap3A_402], %mul3A_400 {strides = array<i32>} : memref<512x64xf32, #tpu.memory_space<vmem>>, vector<16xf32>,
        %add3A_404 = arith.constant 16 : i32
        %add3A_405 = vector.broadcast %add3A_404 : i32 to vector<16xi32>
        %add3A_406 = arith.addi %iota3A, %add3A_405 : vector<16xi32>
        %gather3A_407 = arith.constant 0 : i32
        %gather3A_408 = arith.constant 1 : i32
        %gather3A_409 = arith.constant 0 : i32
        %gather3A_410 = arith.constant 0 : i32
        %gather3A_411 = tpu.memref_slice %arg7[%gather3A_407, %gather3A_408, %gather3A_409, %gather3A_410] : memref<2x2x64x128xf32, #tpu.memory_space<vmem>> -> memref<1x1x64x128xf32, #tpu.memory_space<vmem>>
        %gather3A_412 = tpu.memref_squeeze %gather3A_411 : memref<1x1x64x128xf32, #tpu.memory_space<vmem>> -> memref<64x128xf32, #tpu.memory_space<vmem>>
        %gather3A_413 = tpu.vector_load_idx %gather3A_412[%add3A_406, %broadcast_in_dim3A_382] : memref<64x128xf32, #tpu.memory_space<vmem>>[vector<16xi32>, vector<16xi32>], vector<16xf32>,
        %mul3A_414 = arith.mulf %gather3A_413, %broadcast_in_dim3A_385 : vector<16xf32>
        %swap3A_415 = arith.index_cast %add3A_389 : i32 to index
        %swap3A_416 = arith.constant 16 : index
        %swap3A_417 = tpu.vector_load %arg8[%swap3A_415, %swap3A_416] {strides = array<i32>} : memref<512x64xf32, #tpu.memory_space<vmem>>, vector<16xf32>,
        tpu.vector_store %arg8[%swap3A_415, %swap3A_416], %mul3A_414 {strides = array<i32>} : memref<512x64xf32, #tpu.memory_space<vmem>>, vector<16xf32>,
        %add3A_418 = arith.constant 32 : i32
        %add3A_419 = vector.broadcast %add3A_418 : i32 to vector<16xi32>
        %add3A_420 = arith.addi %iota3A, %add3A_419 : vector<16xi32>
        %gather3A_421 = arith.constant 0 : i32
        %gather3A_422 = arith.constant 1 : i32
        %gather3A_423 = arith.constant 0 : i32
        %gather3A_424 = arith.constant 0 : i32
        %gather3A_425 = tpu.memref_slice %arg7[%gather3A_421, %gather3A_422, %gather3A_423, %gather3A_424] : memref<2x2x64x128xf32, #tpu.memory_space<vmem>> -> memref<1x1x64x128xf32, #tpu.memory_space<vmem>>
        %gather3A_426 = tpu.memref_squeeze %gather3A_425 : memref<1x1x64x128xf32, #tpu.memory_space<vmem>> -> memref<64x128xf32, #tpu.memory_space<vmem>>
        %gather3A_427 = tpu.vector_load_idx %gather3A_426[%add3A_420, %broadcast_in_dim3A_382] : memref<64x128xf32, #tpu.memory_space<vmem>>[vector<16xi32>, vector<16xi32>], vector<16xf32>,
        %mul3A_428 = arith.mulf %gather3A_427, %broadcast_in_dim3A_385 : vector<16xf32>
        %swap3A_429 = arith.index_cast %add3A_389 : i32 to index
        %swap3A_430 = arith.constant 32 : index
        %swap3A_431 = tpu.vector_load %arg8[%swap3A_429, %swap3A_430] {strides = array<i32>} : memref<512x64xf32, #tpu.memory_space<vmem>>, vector<16xf32>,
        tpu.vector_store %arg8[%swap3A_429, %swap3A_430], %mul3A_428 {strides = array<i32>} : memref<512x64xf32, #tpu.memory_space<vmem>>, vector<16xf32>,
        %add3A_432 = arith.constant 48 : i32
        %add3A_433 = vector.broadcast %add3A_432 : i32 to vector<16xi32>
        %add3A_434 = arith.addi %iota3A, %add3A_433 : vector<16xi32>
        %gather3A_435 = arith.constant 0 : i32
        %gather3A_436 = arith.constant 1 : i32
        %gather3A_437 = arith.constant 0 : i32
        %gather3A_438 = arith.constant 0 : i32
        %gather3A_439 = tpu.memref_slice %arg7[%gather3A_435, %gather3A_436, %gather3A_437, %gather3A_438] : memref<2x2x64x128xf32, #tpu.memory_space<vmem>> -> memref<1x1x64x128xf32, #tpu.memory_space<vmem>>
        %gather3A_440 = tpu.memref_squeeze %gather3A_439 : memref<1x1x64x128xf32, #tpu.memory_space<vmem>> -> memref<64x128xf32, #tpu.memory_space<vmem>>
        %gather3A_441 = tpu.vector_load_idx %gather3A_440[%add3A_434, %broadcast_in_dim3A_382] : memref<64x128xf32, #tpu.memory_space<vmem>>[vector<16xi32>, vector<16xi32>], vector<16xf32>,
        %mul3A_442 = arith.mulf %gather3A_441, %broadcast_in_dim3A_385 : vector<16xf32>
        %swap3A_443 = arith.index_cast %add3A_389 : i32 to index
        %swap3A_444 = arith.constant 48 : index
        %swap3A_445 = tpu.vector_load %arg8[%swap3A_443, %swap3A_444] {strides = array<i32>} : memref<512x64xf32, #tpu.memory_space<vmem>>, vector<16xf32>,
        tpu.vector_store %arg8[%swap3A_443, %swap3A_444], %mul3A_442 {strides = array<i32>} : memref<512x64xf32, #tpu.memory_space<vmem>>, vector<16xf32>,
      } else {
      }
      %add3A_79 = arith.constant 2 : i32
      %add3A_80 = arith.addi %mul3A_76, %add3A_79 : i32
      %jit3A = arith.constant 0 : i32
      %jit3A_81 = arith.constant 255 : i32
      %max3A = arith.maxsi %jit3A, %add3A_80 : i32
      %min3A = arith.minsi %jit3A_81, %max3A : i32
      %mul3A_82 = arith.constant 2 : i32
      %mul3A_83 = arith.muli %min3A, %mul3A_82 : i32
      %get3A = arith.index_cast %mul3A_83 : i32 to index
      %get3A_84 = tpu.vector_load %arg6[%get3A] {strides = array<i32>} : memref<528xi32, #tpu.memory_space<vmem>>, vector<16xi32>,
      %gt3A = arith.constant 500000 : i32
      %gt3A_85 = vector.broadcast %gt3A : i32 to vector<16xi32>
      %gt3A_86 = arith.cmpi sgt, %get3A_84, %gt3A_85 : vector<16xi32>
      %eq3A = arith.constant 0 : i32
      %eq3A_87 = vector.broadcast %eq3A : i32 to vector<16xi32>
      %eq3A_88 = arith.cmpi eq, %get3A_84, %eq3A_87 : vector<16xi32>
      %sub3A = arith.constant 1 : i32
      %sub3A_89 = vector.broadcast %sub3A : i32 to vector<16xi32>
      %sub3A_90 = arith.subi %get3A_84, %sub3A_89 : vector<16xi32>
      %jit3A_91 = arith.constant 0 : i32
      %jit3A_92 = arith.constant 499999 : i32
      %max3A_93 = vector.broadcast %jit3A_91 : i32 to vector<16xi32>
      %max3A_94 = arith.maxsi %max3A_93, %sub3A_90 : vector<16xi32>
      %min3A_95 = vector.broadcast %jit3A_92 : i32 to vector<16xi32>
      %min3A_96 = arith.minsi %min3A_95, %max3A_94 : vector<16xi32>
      %sub3A_97 = arith.constant 500001 : i32
      %sub3A_98 = vector.broadcast %sub3A_97 : i32 to vector<16xi32>
      %sub3A_99 = arith.subi %get3A_84, %sub3A_98 : vector<16xi32>
      %jit3A_100 = arith.constant 0 : i32
      %jit3A_101 = arith.constant 499999 : i32
      %max3A_102 = vector.broadcast %jit3A_100 : i32 to vector<16xi32>
      %max3A_103 = arith.maxsi %max3A_102, %sub3A_99 : vector<16xi32>
      %min3A_104 = vector.broadcast %jit3A_101 : i32 to vector<16xi32>
      %min3A_105 = arith.minsi %min3A_104, %max3A_103 : vector<16xi32>
      %select_n3A = arith.select %gt3A_86, %min3A_105, %min3A_96 : vector<16xi1>, vector<16xi32>
      %shift_right_arithmetic3A = arith.constant 7 : i32
      %shift_right_arithmetic3A_106 = vector.broadcast %shift_right_arithmetic3A : i32 to vector<16xi32>
      %shift_right_arithmetic3A_107 = arith.shrsi %select_n3A, %shift_right_arithmetic3A_106 : vector<16xi32>
      %shift_left3A = arith.constant 7 : i32
      %shift_left3A_108 = vector.broadcast %shift_left3A : i32 to vector<16xi32>
      %shift_left3A_109 = arith.shli %shift_right_arithmetic3A_107, %shift_left3A_108 : vector<16xi32>
      %and3A = arith.constant 127 : i32
      %and3A_110 = vector.broadcast %and3A : i32 to vector<16xi32>
      %and3A_111 = arith.andi %select_n3A, %and3A_110 : vector<16xi32>
      %jit3A_112 = arith.constant 0.000000e+00 : f32
      %jit3A_113 = arith.constant 1.000000e+00 : f32
      %broadcast_in_dim3A = vector.broadcast %jit3A_112 : f32 to vector<16xf32>
      %broadcast_in_dim3A_114 = vector.broadcast %jit3A_113 : f32 to vector<16xf32>
      %select_n3A_115 = arith.select %eq3A_88, %broadcast_in_dim3A, %broadcast_in_dim3A_114 : vector<16xi1>, vector<16xf32>
      %jit3A_116 = arith.constant 1 : i32
      %jit3A_117 = arith.constant 0 : i32
      %broadcast_in_dim3A_118 = vector.broadcast %jit3A_116 : i32 to vector<16xi32>
      %broadcast_in_dim3A_119 = vector.broadcast %jit3A_117 : i32 to vector<16xi32>
      %select_n3A_120 = arith.select %gt3A_86, %broadcast_in_dim3A_118, %broadcast_in_dim3A_119 : vector<16xi1>, vector<16xi32>
      %slice3A = vector.extract_strided_slice %shift_left3A_109 {offsets = [0], sizes = [1], strides = [1]} : vector<16xi32> to vector<1xi32>
      %squeeze3A = vector.extract %slice3A[0] : i32 from vector<1xi32>
      %multiple_of3A = tpu.assume_multiple %squeeze3A, 128 : i32
      %slice3A_121 = vector.extract_strided_slice %select_n3A_120 {offsets = [0], sizes = [1], strides = [1]} : vector<16xi32> to vector<1xi32>
      %squeeze3A_122 = vector.extract %slice3A_121[0] : i32 from vector<1xi32>
      %ne3A = arith.constant 0 : i32
      %ne3A_123 = arith.cmpi ne, %squeeze3A_122, %ne3A : i32
      %convert_element_type3A_124 = arith.extui %ne3A_123 : i1 to i32
      %cond3A_125 = arith.constant 0 : i32
      %cond3A_126 = arith.cmpi ne, %convert_element_type3A_124, %cond3A_125 : i32
      scf.if %cond3A_126 {
        %dma_start3A = arith.constant 0 : i32
        %dma_start3A_236 = arith.constant 0 : i32
        %dma_start3A_237 = arith.constant 0 : i32
        %dma_start3A_238 = arith.constant 0 : i32
        %dma_start3A_239 = tpu.memref_slice %arg7[%dma_start3A, %dma_start3A_236, %dma_start3A_237, %dma_start3A_238] : memref<2x2x64x128xf32, #tpu.memory_space<vmem>> -> memref<1x1x64x128xf32, #tpu.memory_space<vmem>>
        %dma_start3A_240 = tpu.memref_squeeze %dma_start3A_239 : memref<1x1x64x128xf32, #tpu.memory_space<vmem>> -> memref<64x128xf32, #tpu.memory_space<vmem>>
        %dma_start3A_241 = arith.constant 0 : i32
        %dma_start3A_242 = tpu.memref_slice %arg4[%dma_start3A_241, %multiple_of3A] : memref<64x500000xf32, #tpu.memory_space<hbm>> -> memref<64x128xf32, #tpu.memory_space<hbm>>
        %dma_start3A_243 = arith.constant 0 : i32
        %dma_start3A_244 = arith.constant 0 : i32
        %dma_start3A_245 = tpu.memref_slice %arg7[%dma_start3A, %dma_start3A_236, %dma_start3A_243, %dma_start3A_244] : memref<2x2x64x128xf32, #tpu.memory_space<vmem>> -> memref<1x1x64x128xf32, #tpu.memory_space<vmem>>
        %dma_start3A_246 = tpu.memref_squeeze %dma_start3A_245 : memref<1x1x64x128xf32, #tpu.memory_space<vmem>> -> memref<64x128xf32, #tpu.memory_space<vmem>>
        %dma_start3A_247 = arith.constant 0 : i32
        %dma_start3A_248 = tpu.memref_slice %arg4[%dma_start3A_247, %multiple_of3A] : memref<64x500000xf32, #tpu.memory_space<hbm>> -> memref<64x128xf32, #tpu.memory_space<hbm>>
        tpu.enqueue_dma source(%dma_start3A_248 : memref<64x128xf32, #tpu.memory_space<hbm>>) target(%dma_start3A_246 : memref<64x128xf32, #tpu.memory_space<vmem>>) target_semaphore(%arg9 : memref<!tpu.dma_semaphore, #tpu.memory_space<semaphore_mem>>)
      } else {
      }
      %eq3A_127 = arith.constant 0 : i32
      %eq3A_128 = arith.cmpi eq, %squeeze3A_122, %eq3A_127 : i32
      %convert_element_type3A_129 = arith.extui %eq3A_128 : i1 to i32
      %cond3A_130 = arith.constant 0 : i32
      %cond3A_131 = arith.cmpi ne, %convert_element_type3A_129, %cond3A_130 : i32
      scf.if %cond3A_131 {
        %dma_start3A = arith.constant 0 : i32
        %dma_start3A_236 = arith.constant 0 : i32
        %dma_start3A_237 = arith.constant 0 : i32
        %dma_start3A_238 = arith.constant 0 : i32
        %dma_start3A_239 = tpu.memref_slice %arg7[%dma_start3A, %dma_start3A_236, %dma_start3A_237, %dma_start3A_238] : memref<2x2x64x128xf32, #tpu.memory_space<vmem>> -> memref<1x1x64x128xf32, #tpu.memory_space<vmem>>
        %dma_start3A_240 = tpu.memref_squeeze %dma_start3A_239 : memref<1x1x64x128xf32, #tpu.memory_space<vmem>> -> memref<64x128xf32, #tpu.memory_space<vmem>>
        %dma_start3A_241 = arith.constant 0 : i32
        %dma_start3A_242 = tpu.memref_slice %arg3[%dma_start3A_241, %multiple_of3A] : memref<64x500000xf32, #tpu.memory_space<hbm>> -> memref<64x128xf32, #tpu.memory_space<hbm>>
        %dma_start3A_243 = arith.constant 0 : i32
        %dma_start3A_244 = arith.constant 0 : i32
        %dma_start3A_245 = tpu.memref_slice %arg7[%dma_start3A, %dma_start3A_236, %dma_start3A_243, %dma_start3A_244] : memref<2x2x64x128xf32, #tpu.memory_space<vmem>> -> memref<1x1x64x128xf32, #tpu.memory_space<vmem>>
        %dma_start3A_246 = tpu.memref_squeeze %dma_start3A_245 : memref<1x1x64x128xf32, #tpu.memory_space<vmem>> -> memref<64x128xf32, #tpu.memory_space<vmem>>
        %dma_start3A_247 = arith.constant 0 : i32
        %dma_start3A_248 = tpu.memref_slice %arg3[%dma_start3A_247, %multiple_of3A] : memref<64x500000xf32, #tpu.memory_space<hbm>> -> memref<64x128xf32, #tpu.memory_space<hbm>>
        tpu.enqueue_dma source(%dma_start3A_248 : memref<64x128xf32, #tpu.memory_space<hbm>>) target(%dma_start3A_246 : memref<64x128xf32, #tpu.memory_space<vmem>>) target_semaphore(%arg9 : memref<!tpu.dma_semaphore, #tpu.memory_space<semaphore_mem>>)
      } else {
      }
      %slice3A_132 = vector.extract_strided_slice %shift_left3A_109 {offsets = [1], sizes = [1], strides = [1]} : vector<16xi32> to vector<1xi32>
      %squeeze3A_133 = vector.extract %slice3A_132[0] : i32 from vector<1xi32>
      %multiple_of3A_134 = tpu.assume_multiple %squeeze3A_133, 128 : i32
      %slice3A_135 = vector.extract_strided_slice %select_n3A_120 {offsets = [1], sizes = [1], strides = [1]} : vector<16xi32> to vector<1xi32>
      %squeeze3A_136 = vector.extract %slice3A_135[0] : i32 from vector<1xi32>
      %ne3A_137 = arith.constant 0 : i32
      %ne3A_138 = arith.cmpi ne, %squeeze3A_136, %ne3A_137 : i32
      %convert_element_type3A_139 = arith.extui %ne3A_138 : i1 to i32
      %cond3A_140 = arith.constant 0 : i32
      %cond3A_141 = arith.cmpi ne, %convert_element_type3A_139, %cond3A_140 : i32
      scf.if %cond3A_141 {
        %dma_start3A = arith.constant 0 : i32
        %dma_start3A_236 = arith.constant 1 : i32
        %dma_start3A_237 = arith.constant 0 : i32
        %dma_start3A_238 = arith.constant 0 : i32
        %dma_start3A_239 = tpu.memref_slice %arg7[%dma_start3A, %dma_start3A_236, %dma_start3A_237, %dma_start3A_238] : memref<2x2x64x128xf32, #tpu.memory_space<vmem>> -> memref<1x1x64x128xf32, #tpu.memory_space<vmem>>
        %dma_start3A_240 = tpu.memref_squeeze %dma_start3A_239 : memref<1x1x64x128xf32, #tpu.memory_space<vmem>> -> memref<64x128xf32, #tpu.memory_space<vmem>>
        %dma_start3A_241 = arith.constant 0 : i32
        %dma_start3A_242 = tpu.memref_slice %arg4[%dma_start3A_241, %multiple_of3A_134] : memref<64x500000xf32, #tpu.memory_space<hbm>> -> memref<64x128xf32, #tpu.memory_space<hbm>>
        %dma_start3A_243 = arith.constant 0 : i32
        %dma_start3A_244 = arith.constant 0 : i32
        %dma_start3A_245 = tpu.memref_slice %arg7[%dma_start3A, %dma_start3A_236, %dma_start3A_243, %dma_start3A_244] : memref<2x2x64x128xf32, #tpu.memory_space<vmem>> -> memref<1x1x64x128xf32, #tpu.memory_space<vmem>>
        %dma_start3A_246 = tpu.memref_squeeze %dma_start3A_245 : memref<1x1x64x128xf32, #tpu.memory_space<vmem>> -> memref<64x128xf32, #tpu.memory_space<vmem>>
        %dma_start3A_247 = arith.constant 0 : i32
        %dma_start3A_248 = tpu.memref_slice %arg4[%dma_start3A_247, %multiple_of3A_134] : memref<64x500000xf32, #tpu.memory_space<hbm>> -> memref<64x128xf32, #tpu.memory_space<hbm>>
        tpu.enqueue_dma source(%dma_start3A_248 : memref<64x128xf32, #tpu.memory_space<hbm>>) target(%dma_start3A_246 : memref<64x128xf32, #tpu.memory_space<vmem>>) target_semaphore(%arg9 : memref<!tpu.dma_semaphore, #tpu.memory_space<semaphore_mem>>)
      } else {
      }
      %eq3A_142 = arith.constant 0 : i32
      %eq3A_143 = arith.cmpi eq, %squeeze3A_136, %eq3A_142 : i32
      %convert_element_type3A_144 = arith.extui %eq3A_143 : i1 to i32
      %cond3A_145 = arith.constant 0 : i32
      %cond3A_146 = arith.cmpi ne, %convert_element_type3A_144, %cond3A_145 : i32
      scf.if %cond3A_146 {
        %dma_start3A = arith.constant 0 : i32
        %dma_start3A_236 = arith.constant 1 : i32
        %dma_start3A_237 = arith.constant 0 : i32
        %dma_start3A_238 = arith.constant 0 : i32
        %dma_start3A_239 = tpu.memref_slice %arg7[%dma_start3A, %dma_start3A_236, %dma_start3A_237, %dma_start3A_238] : memref<2x2x64x128xf32, #tpu.memory_space<vmem>> -> memref<1x1x64x128xf32, #tpu.memory_space<vmem>>
        %dma_start3A_240 = tpu.memref_squeeze %dma_start3A_239 : memref<1x1x64x128xf32, #tpu.memory_space<vmem>> -> memref<64x128xf32, #tpu.memory_space<vmem>>
        %dma_start3A_241 = arith.constant 0 : i32
        %dma_start3A_242 = tpu.memref_slice %arg3[%dma_start3A_241, %multiple_of3A_134] : memref<64x500000xf32, #tpu.memory_space<hbm>> -> memref<64x128xf32, #tpu.memory_space<hbm>>
        %dma_start3A_243 = arith.constant 0 : i32
        %dma_start3A_244 = arith.constant 0 : i32
        %dma_start3A_245 = tpu.memref_slice %arg7[%dma_start3A, %dma_start3A_236, %dma_start3A_243, %dma_start3A_244] : memref<2x2x64x128xf32, #tpu.memory_space<vmem>> -> memref<1x1x64x128xf32, #tpu.memory_space<vmem>>
        %dma_start3A_246 = tpu.memref_squeeze %dma_start3A_245 : memref<1x1x64x128xf32, #tpu.memory_space<vmem>> -> memref<64x128xf32, #tpu.memory_space<vmem>>
        %dma_start3A_247 = arith.constant 0 : i32
        %dma_start3A_248 = tpu.memref_slice %arg3[%dma_start3A_247, %multiple_of3A_134] : memref<64x500000xf32, #tpu.memory_space<hbm>> -> memref<64x128xf32, #tpu.memory_space<hbm>>
        tpu.enqueue_dma source(%dma_start3A_248 : memref<64x128xf32, #tpu.memory_space<hbm>>) target(%dma_start3A_246 : memref<64x128xf32, #tpu.memory_space<vmem>>) target_semaphore(%arg9 : memref<!tpu.dma_semaphore, #tpu.memory_space<semaphore_mem>>)
      } else {
      }
      %ge3A_147 = arith.constant 0 : i32
      %ge3A_148 = arith.cmpi sge, %add3A_74, %ge3A_147 : i32
      %convert_element_type3A_149 = arith.extui %ge3A_148 : i1 to i32
      %cond3A_150 = arith.constant 0 : i32
      %cond3A_151 = arith.cmpi ne, %convert_element_type3A_149, %cond3A_150 : i32
      scf.if %cond3A_151 {
        %dma_wait3A_236 = arith.constant 1 : i32
        %dma_wait3A_237 = arith.constant 0 : i32
        %dma_wait3A_238 = arith.constant 0 : i32
        %dma_wait3A_239 = arith.constant 0 : i32
        %dma_wait3A_240 = tpu.memref_slice %arg7[%dma_wait3A_236, %dma_wait3A_237, %dma_wait3A_238, %dma_wait3A_239] : memref<2x2x64x128xf32, #tpu.memory_space<vmem>> -> memref<1x1x64x128xf32, #tpu.memory_space<vmem>>
        %dma_wait3A_241 = tpu.memref_squeeze %dma_wait3A_240 : memref<1x1x64x128xf32, #tpu.memory_space<vmem>> -> memref<64x128xf32, #tpu.memory_space<vmem>>
        %dma_wait3A_242 = arith.constant 0 : i32
        %dma_wait3A_243 = arith.constant 0 : i32
        %dma_wait3A_244 = tpu.memref_slice %arg3[%dma_wait3A_242, %dma_wait3A_243] : memref<64x500000xf32, #tpu.memory_space<hbm>> -> memref<64x128xf32, #tpu.memory_space<hbm>>
        %dma_wait3A_245 = arith.constant 0 : i32
        %dma_wait3A_246 = arith.constant 0 : i32
        %dma_wait3A_247 = tpu.memref_slice %arg7[%dma_wait3A_236, %dma_wait3A_237, %dma_wait3A_245, %dma_wait3A_246] : memref<2x2x64x128xf32, #tpu.memory_space<vmem>> -> memref<1x1x64x128xf32, #tpu.memory_space<vmem>>
        %dma_wait3A_248 = tpu.memref_squeeze %dma_wait3A_247 : memref<1x1x64x128xf32, #tpu.memory_space<vmem>> -> memref<64x128xf32, #tpu.memory_space<vmem>>
        %dma_wait3A_249 = arith.constant 0 : i32
        %dma_wait3A_250 = arith.constant 0 : i32
        %dma_wait3A_251 = tpu.memref_slice %arg3[%dma_wait3A_249, %dma_wait3A_250] : memref<64x500000xf32, #tpu.memory_space<hbm>> -> memref<64x128xf32, #tpu.memory_space<hbm>>
        tpu.wait_dma2 semaphore(%arg10 : memref<!tpu.dma_semaphore, #tpu.memory_space<semaphore_mem>>) src(%dma_wait3A_251 : memref<64x128xf32, #tpu.memory_space<hbm>>) dst(%dma_wait3A_248 : memref<64x128xf32, #tpu.memory_space<vmem>>)
        %dma_wait3A_252 = arith.constant 1 : i32
        %dma_wait3A_253 = arith.constant 1 : i32
        %dma_wait3A_254 = arith.constant 0 : i32
        %dma_wait3A_255 = arith.constant 0 : i32
        %dma_wait3A_256 = tpu.memref_slice %arg7[%dma_wait3A_252, %dma_wait3A_253, %dma_wait3A_254, %dma_wait3A_255] : memref<2x2x64x128xf32, #tpu.memory_space<vmem>> -> memref<1x1x64x128xf32, #tpu.memory_space<vmem>>
        %dma_wait3A_257 = tpu.memref_squeeze %dma_wait3A_256 : memref<1x1x64x128xf32, #tpu.memory_space<vmem>> -> memref<64x128xf32, #tpu.memory_space<vmem>>
        %dma_wait3A_258 = arith.constant 0 : i32
        %dma_wait3A_259 = arith.constant 0 : i32
        %dma_wait3A_260 = tpu.memref_slice %arg3[%dma_wait3A_258, %dma_wait3A_259] : memref<64x500000xf32, #tpu.memory_space<hbm>> -> memref<64x128xf32, #tpu.memory_space<hbm>>
        %dma_wait3A_261 = arith.constant 0 : i32
        %dma_wait3A_262 = arith.constant 0 : i32
        %dma_wait3A_263 = tpu.memref_slice %arg7[%dma_wait3A_252, %dma_wait3A_253, %dma_wait3A_261, %dma_wait3A_262] : memref<2x2x64x128xf32, #tpu.memory_space<vmem>> -> memref<1x1x64x128xf32, #tpu.memory_space<vmem>>
        %dma_wait3A_264 = tpu.memref_squeeze %dma_wait3A_263 : memref<1x1x64x128xf32, #tpu.memory_space<vmem>> -> memref<64x128xf32, #tpu.memory_space<vmem>>
        %dma_wait3A_265 = arith.constant 0 : i32
        %dma_wait3A_266 = arith.constant 0 : i32
        %dma_wait3A_267 = tpu.memref_slice %arg3[%dma_wait3A_265, %dma_wait3A_266] : memref<64x500000xf32, #tpu.memory_space<hbm>> -> memref<64x128xf32, #tpu.memory_space<hbm>>
        tpu.wait_dma2 semaphore(%arg10 : memref<!tpu.dma_semaphore, #tpu.memory_space<semaphore_mem>>) src(%dma_wait3A_267 : memref<64x128xf32, #tpu.memory_space<hbm>>) dst(%dma_wait3A_264 : memref<64x128xf32, #tpu.memory_space<vmem>>)
        %add3A_268 = arith.constant 1 : i32
        %add3A_269 = arith.addi %mul3A_76, %add3A_268 : i32
        %mul3A_270 = arith.constant 2 : i32
        %mul3A_271 = arith.muli %add3A_269, %mul3A_270 : i32
        %get3A_272 = arith.index_cast %mul3A_271 : i32 to index
        %get3A_273 = tpu.vector_load %arg6[%get3A_272] {strides = array<i32>} : memref<528xi32, #tpu.memory_space<vmem>>, vector<16xi32>,
        %gt3A_274 = arith.constant 500000 : i32
        %gt3A_275 = vector.broadcast %gt3A_274 : i32 to vector<16xi32>
        %gt3A_276 = arith.cmpi sgt, %get3A_273, %gt3A_275 : vector<16xi32>
        %eq3A_277 = arith.constant 0 : i32
        %eq3A_278 = vector.broadcast %eq3A_277 : i32 to vector<16xi32>
        %eq3A_279 = arith.cmpi eq, %get3A_273, %eq3A_278 : vector<16xi32>
        %sub3A_280 = arith.constant 1 : i32
        %sub3A_281 = vector.broadcast %sub3A_280 : i32 to vector<16xi32>
        %sub3A_282 = arith.subi %get3A_273, %sub3A_281 : vector<16xi32>
        %jit3A_283 = arith.constant 0 : i32
        %jit3A_284 = arith.constant 499999 : i32
        %max3A_285 = vector.broadcast %jit3A_283 : i32 to vector<16xi32>
        %max3A_286 = arith.maxsi %max3A_285, %sub3A_282 : vector<16xi32>
        %min3A_287 = vector.broadcast %jit3A_284 : i32 to vector<16xi32>
        %min3A_288 = arith.minsi %min3A_287, %max3A_286 : vector<16xi32>
        %sub3A_289 = arith.constant 500001 : i32
        %sub3A_290 = vector.broadcast %sub3A_289 : i32 to vector<16xi32>
        %sub3A_291 = arith.subi %get3A_273, %sub3A_290 : vector<16xi32>
        %jit3A_292 = arith.constant 0 : i32
        %jit3A_293 = arith.constant 499999 : i32
        %max3A_294 = vector.broadcast %jit3A_292 : i32 to vector<16xi32>
        %max3A_295 = arith.maxsi %max3A_294, %sub3A_291 : vector<16xi32>
        %min3A_296 = vector.broadcast %jit3A_293 : i32 to vector<16xi32>
        %min3A_297 = arith.minsi %min3A_296, %max3A_295 : vector<16xi32>
        %select_n3A_298 = arith.select %gt3A_276, %min3A_297, %min3A_288 : vector<16xi1>, vector<16xi32>
        %shift_right_arithmetic3A_299 = arith.constant 7 : i32
        %shift_right_arithmetic3A_300 = vector.broadcast %shift_right_arithmetic3A_299 : i32 to vector<16xi32>
        %shift_right_arithmetic3A_301 = arith.shrsi %select_n3A_298, %shift_right_arithmetic3A_300 : vector<16xi32>
        %shift_left3A_302 = arith.constant 7 : i32
        %shift_left3A_303 = vector.broadcast %shift_left3A_302 : i32 to vector<16xi32>
        %shift_left3A_304 = arith.shli %shift_right_arithmetic3A_301, %shift_left3A_303 : vector<16xi32>
        %and3A_305 = arith.constant 127 : i32
        %and3A_306 = vector.broadcast %and3A_305 : i32 to vector<16xi32>
        %and3A_307 = arith.andi %select_n3A_298, %and3A_306 : vector<16xi32>
        %jit3A_308 = arith.constant 0.000000e+00 : f32
        %jit3A_309 = arith.constant 1.000000e+00 : f32
        %broadcast_in_dim3A_310 = vector.broadcast %jit3A_308 : f32 to vector<16xf32>
        %broadcast_in_dim3A_311 = vector.broadcast %jit3A_309 : f32 to vector<16xf32>
        %select_n3A_312 = arith.select %eq3A_279, %broadcast_in_dim3A_310, %broadcast_in_dim3A_311 : vector<16xi1>, vector<16xf32>
        %jit3A_313 = arith.constant 1 : i32
        %jit3A_314 = arith.constant 0 : i32
        %broadcast_in_dim3A_315 = vector.broadcast %jit3A_313 : i32 to vector<16xi32>
        %broadcast_in_dim3A_316 = vector.broadcast %jit3A_314 : i32 to vector<16xi32>
        %select_n3A_317 = arith.select %gt3A_276, %broadcast_in_dim3A_315, %broadcast_in_dim3A_316 : vector<16xi1>, vector<16xi32>
        %slice3A_318 = vector.extract_strided_slice %and3A_307 {offsets = [0], sizes = [1], strides = [1]} : vector<16xi32> to vector<1xi32>
        %squeeze3A_319 = vector.extract %slice3A_318[0] : i32 from vector<1xi32>
        %broadcast_in_dim3A_320 = vector.broadcast %squeeze3A_319 : i32 to vector<16xi32>
        %slice3A_321 = vector.extract_strided_slice %select_n3A_312 {offsets = [0], sizes = [1], strides = [1]} : vector<16xf32> to vector<1xf32>
        %squeeze3A_322 = vector.extract %slice3A_321[0] : f32 from vector<1xf32>
        %broadcast_in_dim3A_323 = vector.broadcast %squeeze3A_322 : f32 to vector<16xf32>
        %mul3A_324 = arith.constant 2 : i32
        %mul3A_325 = arith.muli %add3A_269, %mul3A_324 : i32
        %add3A_326 = arith.constant 0 : i32
        %add3A_327 = arith.addi %mul3A_325, %add3A_326 : i32
        %add3A_328 = arith.constant 0 : i32
        %add3A_329 = vector.broadcast %add3A_328 : i32 to vector<16xi32>
        %add3A_330 = arith.addi %iota3A, %add3A_329 : vector<16xi32>
        %gather3A = arith.constant 1 : i32
        %gather3A_331 = arith.constant 0 : i32
        %gather3A_332 = arith.constant 0 : i32
        %gather3A_333 = arith.constant 0 : i32
        %gather3A_334 = tpu.memref_slice %arg7[%gather3A, %gather3A_331, %gather3A_332, %gather3A_333] : memref<2x2x64x128xf32, #tpu.memory_space<vmem>> -> memref<1x1x64x128xf32, #tpu.memory_space<vmem>>
        %gather3A_335 = tpu.memref_squeeze %gather3A_334 : memref<1x1x64x128xf32, #tpu.memory_space<vmem>> -> memref<64x128xf32, #tpu.memory_space<vmem>>
        %gather3A_336 = tpu.vector_load_idx %gather3A_335[%add3A_330, %broadcast_in_dim3A_320] : memref<64x128xf32, #tpu.memory_space<vmem>>[vector<16xi32>, vector<16xi32>], vector<16xf32>,
        %mul3A_337 = arith.mulf %gather3A_336, %broadcast_in_dim3A_323 : vector<16xf32>
        %swap3A = arith.index_cast %add3A_327 : i32 to index
        %swap3A_338 = arith.constant 0 : index
        %swap3A_339 = tpu.vector_load %arg8[%swap3A, %swap3A_338] {strides = array<i32>} : memref<512x64xf32, #tpu.memory_space<vmem>>, vector<16xf32>,
        tpu.vector_store %arg8[%swap3A, %swap3A_338], %mul3A_337 {strides = array<i32>} : memref<512x64xf32, #tpu.memory_space<vmem>>, vector<16xf32>,
        %add3A_340 = arith.constant 16 : i32
        %add3A_341 = vector.broadcast %add3A_340 : i32 to vector<16xi32>
        %add3A_342 = arith.addi %iota3A, %add3A_341 : vector<16xi32>
        %gather3A_343 = arith.constant 1 : i32
        %gather3A_344 = arith.constant 0 : i32
        %gather3A_345 = arith.constant 0 : i32
        %gather3A_346 = arith.constant 0 : i32
        %gather3A_347 = tpu.memref_slice %arg7[%gather3A_343, %gather3A_344, %gather3A_345, %gather3A_346] : memref<2x2x64x128xf32, #tpu.memory_space<vmem>> -> memref<1x1x64x128xf32, #tpu.memory_space<vmem>>
        %gather3A_348 = tpu.memref_squeeze %gather3A_347 : memref<1x1x64x128xf32, #tpu.memory_space<vmem>> -> memref<64x128xf32, #tpu.memory_space<vmem>>
        %gather3A_349 = tpu.vector_load_idx %gather3A_348[%add3A_342, %broadcast_in_dim3A_320] : memref<64x128xf32, #tpu.memory_space<vmem>>[vector<16xi32>, vector<16xi32>], vector<16xf32>,
        %mul3A_350 = arith.mulf %gather3A_349, %broadcast_in_dim3A_323 : vector<16xf32>
        %swap3A_351 = arith.index_cast %add3A_327 : i32 to index
        %swap3A_352 = arith.constant 16 : index
        %swap3A_353 = tpu.vector_load %arg8[%swap3A_351, %swap3A_352] {strides = array<i32>} : memref<512x64xf32, #tpu.memory_space<vmem>>, vector<16xf32>,
        tpu.vector_store %arg8[%swap3A_351, %swap3A_352], %mul3A_350 {strides = array<i32>} : memref<512x64xf32, #tpu.memory_space<vmem>>, vector<16xf32>,
        %add3A_354 = arith.constant 32 : i32
        %add3A_355 = vector.broadcast %add3A_354 : i32 to vector<16xi32>
        %add3A_356 = arith.addi %iota3A, %add3A_355 : vector<16xi32>
        %gather3A_357 = arith.constant 1 : i32
        %gather3A_358 = arith.constant 0 : i32
        %gather3A_359 = arith.constant 0 : i32
        %gather3A_360 = arith.constant 0 : i32
        %gather3A_361 = tpu.memref_slice %arg7[%gather3A_357, %gather3A_358, %gather3A_359, %gather3A_360] : memref<2x2x64x128xf32, #tpu.memory_space<vmem>> -> memref<1x1x64x128xf32, #tpu.memory_space<vmem>>
        %gather3A_362 = tpu.memref_squeeze %gather3A_361 : memref<1x1x64x128xf32, #tpu.memory_space<vmem>> -> memref<64x128xf32, #tpu.memory_space<vmem>>
        %gather3A_363 = tpu.vector_load_idx %gather3A_362[%add3A_356, %broadcast_in_dim3A_320] : memref<64x128xf32, #tpu.memory_space<vmem>>[vector<16xi32>, vector<16xi32>], vector<16xf32>,
        %mul3A_364 = arith.mulf %gather3A_363, %broadcast_in_dim3A_323 : vector<16xf32>
        %swap3A_365 = arith.index_cast %add3A_327 : i32 to index
        %swap3A_366 = arith.constant 32 : index
        %swap3A_367 = tpu.vector_load %arg8[%swap3A_365, %swap3A_366] {strides = array<i32>} : memref<512x64xf32, #tpu.memory_space<vmem>>, vector<16xf32>,
        tpu.vector_store %arg8[%swap3A_365, %swap3A_366], %mul3A_364 {strides = array<i32>} : memref<512x64xf32, #tpu.memory_space<vmem>>, vector<16xf32>,
        %add3A_368 = arith.constant 48 : i32
        %add3A_369 = vector.broadcast %add3A_368 : i32 to vector<16xi32>
        %add3A_370 = arith.addi %iota3A, %add3A_369 : vector<16xi32>
        %gather3A_371 = arith.constant 1 : i32
        %gather3A_372 = arith.constant 0 : i32
        %gather3A_373 = arith.constant 0 : i32
        %gather3A_374 = arith.constant 0 : i32
        %gather3A_375 = tpu.memref_slice %arg7[%gather3A_371, %gather3A_372, %gather3A_373, %gather3A_374] : memref<2x2x64x128xf32, #tpu.memory_space<vmem>> -> memref<1x1x64x128xf32, #tpu.memory_space<vmem>>
        %gather3A_376 = tpu.memref_squeeze %gather3A_375 : memref<1x1x64x128xf32, #tpu.memory_space<vmem>> -> memref<64x128xf32, #tpu.memory_space<vmem>>
        %gather3A_377 = tpu.vector_load_idx %gather3A_376[%add3A_370, %broadcast_in_dim3A_320] : memref<64x128xf32, #tpu.memory_space<vmem>>[vector<16xi32>, vector<16xi32>], vector<16xf32>,
        %mul3A_378 = arith.mulf %gather3A_377, %broadcast_in_dim3A_323 : vector<16xf32>
        %swap3A_379 = arith.index_cast %add3A_327 : i32 to index
        %swap3A_380 = arith.constant 48 : index
        %swap3A_381 = tpu.vector_load %arg8[%swap3A_379, %swap3A_380] {strides = array<i32>} : memref<512x64xf32, #tpu.memory_space<vmem>>, vector<16xf32>,
        tpu.vector_store %arg8[%swap3A_379, %swap3A_380], %mul3A_378 {strides = array<i32>} : memref<512x64xf32, #tpu.memory_space<vmem>>, vector<16xf32>,
        %slice3A_382 = vector.extract_strided_slice %and3A_307 {offsets = [1], sizes = [1], strides = [1]} : vector<16xi32> to vector<1xi32>
        %squeeze3A_383 = vector.extract %slice3A_382[0] : i32 from vector<1xi32>
        %broadcast_in_dim3A_384 = vector.broadcast %squeeze3A_383 : i32 to vector<16xi32>
        %slice3A_385 = vector.extract_strided_slice %select_n3A_312 {offsets = [1], sizes = [1], strides = [1]} : vector<16xf32> to vector<1xf32>
        %squeeze3A_386 = vector.extract %slice3A_385[0] : f32 from vector<1xf32>
        %broadcast_in_dim3A_387 = vector.broadcast %squeeze3A_386 : f32 to vector<16xf32>
        %mul3A_388 = arith.constant 2 : i32
        %mul3A_389 = arith.muli %add3A_269, %mul3A_388 : i32
        %add3A_390 = arith.constant 1 : i32
        %add3A_391 = arith.addi %mul3A_389, %add3A_390 : i32
        %add3A_392 = arith.constant 0 : i32
        %add3A_393 = vector.broadcast %add3A_392 : i32 to vector<16xi32>
        %add3A_394 = arith.addi %iota3A, %add3A_393 : vector<16xi32>
        %gather3A_395 = arith.constant 1 : i32
        %gather3A_396 = arith.constant 1 : i32
        %gather3A_397 = arith.constant 0 : i32
        %gather3A_398 = arith.constant 0 : i32
        %gather3A_399 = tpu.memref_slice %arg7[%gather3A_395, %gather3A_396, %gather3A_397, %gather3A_398] : memref<2x2x64x128xf32, #tpu.memory_space<vmem>> -> memref<1x1x64x128xf32, #tpu.memory_space<vmem>>
        %gather3A_400 = tpu.memref_squeeze %gather3A_399 : memref<1x1x64x128xf32, #tpu.memory_space<vmem>> -> memref<64x128xf32, #tpu.memory_space<vmem>>
        %gather3A_401 = tpu.vector_load_idx %gather3A_400[%add3A_394, %broadcast_in_dim3A_384] : memref<64x128xf32, #tpu.memory_space<vmem>>[vector<16xi32>, vector<16xi32>], vector<16xf32>,
        %mul3A_402 = arith.mulf %gather3A_401, %broadcast_in_dim3A_387 : vector<16xf32>
        %swap3A_403 = arith.index_cast %add3A_391 : i32 to index
        %swap3A_404 = arith.constant 0 : index
        %swap3A_405 = tpu.vector_load %arg8[%swap3A_403, %swap3A_404] {strides = array<i32>} : memref<512x64xf32, #tpu.memory_space<vmem>>, vector<16xf32>,
        tpu.vector_store %arg8[%swap3A_403, %swap3A_404], %mul3A_402 {strides = array<i32>} : memref<512x64xf32, #tpu.memory_space<vmem>>, vector<16xf32>,
        %add3A_406 = arith.constant 16 : i32
        %add3A_407 = vector.broadcast %add3A_406 : i32 to vector<16xi32>
        %add3A_408 = arith.addi %iota3A, %add3A_407 : vector<16xi32>
        %gather3A_409 = arith.constant 1 : i32
        %gather3A_410 = arith.constant 1 : i32
        %gather3A_411 = arith.constant 0 : i32
        %gather3A_412 = arith.constant 0 : i32
        %gather3A_413 = tpu.memref_slice %arg7[%gather3A_409, %gather3A_410, %gather3A_411, %gather3A_412] : memref<2x2x64x128xf32, #tpu.memory_space<vmem>> -> memref<1x1x64x128xf32, #tpu.memory_space<vmem>>
        %gather3A_414 = tpu.memref_squeeze %gather3A_413 : memref<1x1x64x128xf32, #tpu.memory_space<vmem>> -> memref<64x128xf32, #tpu.memory_space<vmem>>
        %gather3A_415 = tpu.vector_load_idx %gather3A_414[%add3A_408, %broadcast_in_dim3A_384] : memref<64x128xf32, #tpu.memory_space<vmem>>[vector<16xi32>, vector<16xi32>], vector<16xf32>,
        %mul3A_416 = arith.mulf %gather3A_415, %broadcast_in_dim3A_387 : vector<16xf32>
        %swap3A_417 = arith.index_cast %add3A_391 : i32 to index
        %swap3A_418 = arith.constant 16 : index
        %swap3A_419 = tpu.vector_load %arg8[%swap3A_417, %swap3A_418] {strides = array<i32>} : memref<512x64xf32, #tpu.memory_space<vmem>>, vector<16xf32>,
        tpu.vector_store %arg8[%swap3A_417, %swap3A_418], %mul3A_416 {strides = array<i32>} : memref<512x64xf32, #tpu.memory_space<vmem>>, vector<16xf32>,
        %add3A_420 = arith.constant 32 : i32
        %add3A_421 = vector.broadcast %add3A_420 : i32 to vector<16xi32>
        %add3A_422 = arith.addi %iota3A, %add3A_421 : vector<16xi32>
        %gather3A_423 = arith.constant 1 : i32
        %gather3A_424 = arith.constant 1 : i32
        %gather3A_425 = arith.constant 0 : i32
        %gather3A_426 = arith.constant 0 : i32
        %gather3A_427 = tpu.memref_slice %arg7[%gather3A_423, %gather3A_424, %gather3A_425, %gather3A_426] : memref<2x2x64x128xf32, #tpu.memory_space<vmem>> -> memref<1x1x64x128xf32, #tpu.memory_space<vmem>>
        %gather3A_428 = tpu.memref_squeeze %gather3A_427 : memref<1x1x64x128xf32, #tpu.memory_space<vmem>> -> memref<64x128xf32, #tpu.memory_space<vmem>>
        %gather3A_429 = tpu.vector_load_idx %gather3A_428[%add3A_422, %broadcast_in_dim3A_384] : memref<64x128xf32, #tpu.memory_space<vmem>>[vector<16xi32>, vector<16xi32>], vector<16xf32>,
        %mul3A_430 = arith.mulf %gather3A_429, %broadcast_in_dim3A_387 : vector<16xf32>
        %swap3A_431 = arith.index_cast %add3A_391 : i32 to index
        %swap3A_432 = arith.constant 32 : index
        %swap3A_433 = tpu.vector_load %arg8[%swap3A_431, %swap3A_432] {strides = array<i32>} : memref<512x64xf32, #tpu.memory_space<vmem>>, vector<16xf32>,
        tpu.vector_store %arg8[%swap3A_431, %swap3A_432], %mul3A_430 {strides = array<i32>} : memref<512x64xf32, #tpu.memory_space<vmem>>, vector<16xf32>,
        %add3A_434 = arith.constant 48 : i32
        %add3A_435 = vector.broadcast %add3A_434 : i32 to vector<16xi32>
        %add3A_436 = arith.addi %iota3A, %add3A_435 : vector<16xi32>
        %gather3A_437 = arith.constant 1 : i32
        %gather3A_438 = arith.constant 1 : i32
        %gather3A_439 = arith.constant 0 : i32
        %gather3A_440 = arith.constant 0 : i32
        %gather3A_441 = tpu.memref_slice %arg7[%gather3A_437, %gather3A_438, %gather3A_439, %gather3A_440] : memref<2x2x64x128xf32, #tpu.memory_space<vmem>> -> memref<1x1x64x128xf32, #tpu.memory_space<vmem>>
        %gather3A_442 = tpu.memref_squeeze %gather3A_441 : memref<1x1x64x128xf32, #tpu.memory_space<vmem>> -> memref<64x128xf32, #tpu.memory_space<vmem>>
        %gather3A_443 = tpu.vector_load_idx %gather3A_442[%add3A_436, %broadcast_in_dim3A_384] : memref<64x128xf32, #tpu.memory_space<vmem>>[vector<16xi32>, vector<16xi32>], vector<16xf32>,
        %mul3A_444 = arith.mulf %gather3A_443, %broadcast_in_dim3A_387 : vector<16xf32>
        %swap3A_445 = arith.index_cast %add3A_391 : i32 to index
        %swap3A_446 = arith.constant 48 : index
        %swap3A_447 = tpu.vector_load %arg8[%swap3A_445, %swap3A_446] {strides = array<i32>} : memref<512x64xf32, #tpu.memory_space<vmem>>, vector<16xf32>,
        tpu.vector_store %arg8[%swap3A_445, %swap3A_446], %mul3A_444 {strides = array<i32>} : memref<512x64xf32, #tpu.memory_space<vmem>>, vector<16xf32>,
      } else {
      }
      %add3A_152 = arith.constant 3 : i32
      %add3A_153 = arith.addi %mul3A_76, %add3A_152 : i32
      %jit3A_154 = arith.constant 1 : i32
      %jit3A_155 = arith.constant 255 : i32
      %max3A_156 = arith.maxsi %jit3A_154, %add3A_153 : i32
      %min3A_157 = arith.minsi %jit3A_155, %max3A_156 : i32
      %mul3A_158 = arith.constant 2 : i32
      %mul3A_159 = arith.muli %min3A_157, %mul3A_158 : i32
      %get3A_160 = arith.index_cast %mul3A_159 : i32 to index
      %get3A_161 = tpu.vector_load %arg6[%get3A_160] {strides = array<i32>} : memref<528xi32, #tpu.memory_space<vmem>>, vector<16xi32>,
      %gt3A_162 = arith.constant 500000 : i32
      %gt3A_163 = vector.broadcast %gt3A_162 : i32 to vector<16xi32>
      %gt3A_164 = arith.cmpi sgt, %get3A_161, %gt3A_163 : vector<16xi32>
      %eq3A_165 = arith.constant 0 : i32
      %eq3A_166 = vector.broadcast %eq3A_165 : i32 to vector<16xi32>
      %eq3A_167 = arith.cmpi eq, %get3A_161, %eq3A_166 : vector<16xi32>
      %sub3A_168 = arith.constant 1 : i32
      %sub3A_169 = vector.broadcast %sub3A_168 : i32 to vector<16xi32>
      %sub3A_170 = arith.subi %get3A_161, %sub3A_169 : vector<16xi32>
      %jit3A_171 = arith.constant 0 : i32
      %jit3A_172 = arith.constant 499999 : i32
      %max3A_173 = vector.broadcast %jit3A_171 : i32 to vector<16xi32>
      %max3A_174 = arith.maxsi %max3A_173, %sub3A_170 : vector<16xi32>
      %min3A_175 = vector.broadcast %jit3A_172 : i32 to vector<16xi32>
      %min3A_176 = arith.minsi %min3A_175, %max3A_174 : vector<16xi32>
      %sub3A_177 = arith.constant 500001 : i32
      %sub3A_178 = vector.broadcast %sub3A_177 : i32 to vector<16xi32>
      %sub3A_179 = arith.subi %get3A_161, %sub3A_178 : vector<16xi32>
      %jit3A_180 = arith.constant 0 : i32
      %jit3A_181 = arith.constant 499999 : i32
      %max3A_182 = vector.broadcast %jit3A_180 : i32 to vector<16xi32>
      %max3A_183 = arith.maxsi %max3A_182, %sub3A_179 : vector<16xi32>
      %min3A_184 = vector.broadcast %jit3A_181 : i32 to vector<16xi32>
      %min3A_185 = arith.minsi %min3A_184, %max3A_183 : vector<16xi32>
      %select_n3A_186 = arith.select %gt3A_164, %min3A_185, %min3A_176 : vector<16xi1>, vector<16xi32>
      %shift_right_arithmetic3A_187 = arith.constant 7 : i32
      %shift_right_arithmetic3A_188 = vector.broadcast %shift_right_arithmetic3A_187 : i32 to vector<16xi32>
      %shift_right_arithmetic3A_189 = arith.shrsi %select_n3A_186, %shift_right_arithmetic3A_188 : vector<16xi32>
      %shift_left3A_190 = arith.constant 7 : i32
      %shift_left3A_191 = vector.broadcast %shift_left3A_190 : i32 to vector<16xi32>
      %shift_left3A_192 = arith.shli %shift_right_arithmetic3A_189, %shift_left3A_191 : vector<16xi32>
      %and3A_193 = arith.constant 127 : i32
      %and3A_194 = vector.broadcast %and3A_193 : i32 to vector<16xi32>
      %and3A_195 = arith.andi %select_n3A_186, %and3A_194 : vector<16xi32>
      %jit3A_196 = arith.constant 0.000000e+00 : f32
      %jit3A_197 = arith.constant 1.000000e+00 : f32
      %broadcast_in_dim3A_198 = vector.broadcast %jit3A_196 : f32 to vector<16xf32>
      %broadcast_in_dim3A_199 = vector.broadcast %jit3A_197 : f32 to vector<16xf32>
      %select_n3A_200 = arith.select %eq3A_167, %broadcast_in_dim3A_198, %broadcast_in_dim3A_199 : vector<16xi1>, vector<16xf32>
      %jit3A_201 = arith.constant 1 : i32
      %jit3A_202 = arith.constant 0 : i32
      %broadcast_in_dim3A_203 = vector.broadcast %jit3A_201 : i32 to vector<16xi32>
      %broadcast_in_dim3A_204 = vector.broadcast %jit3A_202 : i32 to vector<16xi32>
      %select_n3A_205 = arith.select %gt3A_164, %broadcast_in_dim3A_203, %broadcast_in_dim3A_204 : vector<16xi1>, vector<16xi32>
      %slice3A_206 = vector.extract_strided_slice %shift_left3A_192 {offsets = [0], sizes = [1], strides = [1]} : vector<16xi32> to vector<1xi32>
      %squeeze3A_207 = vector.extract %slice3A_206[0] : i32 from vector<1xi32>
      %multiple_of3A_208 = tpu.assume_multiple %squeeze3A_207, 128 : i32
      %slice3A_209 = vector.extract_strided_slice %select_n3A_205 {offsets = [0], sizes = [1], strides = [1]} : vector<16xi32> to vector<1xi32>
      %squeeze3A_210 = vector.extract %slice3A_209[0] : i32 from vector<1xi32>
      %ne3A_211 = arith.constant 0 : i32
      %ne3A_212 = arith.cmpi ne, %squeeze3A_210, %ne3A_211 : i32
      %convert_element_type3A_213 = arith.extui %ne3A_212 : i1 to i32
      %cond3A_214 = arith.constant 0 : i32
      %cond3A_215 = arith.cmpi ne, %convert_element_type3A_213, %cond3A_214 : i32
      scf.if %cond3A_215 {
        %dma_start3A = arith.constant 1 : i32
        %dma_start3A_236 = arith.constant 0 : i32
        %dma_start3A_237 = arith.constant 0 : i32
        %dma_start3A_238 = arith.constant 0 : i32
        %dma_start3A_239 = tpu.memref_slice %arg7[%dma_start3A, %dma_start3A_236, %dma_start3A_237, %dma_start3A_238] : memref<2x2x64x128xf32, #tpu.memory_space<vmem>> -> memref<1x1x64x128xf32, #tpu.memory_space<vmem>>
        %dma_start3A_240 = tpu.memref_squeeze %dma_start3A_239 : memref<1x1x64x128xf32, #tpu.memory_space<vmem>> -> memref<64x128xf32, #tpu.memory_space<vmem>>
        %dma_start3A_241 = arith.constant 0 : i32
        %dma_start3A_242 = tpu.memref_slice %arg4[%dma_start3A_241, %multiple_of3A_208] : memref<64x500000xf32, #tpu.memory_space<hbm>> -> memref<64x128xf32, #tpu.memory_space<hbm>>
        %dma_start3A_243 = arith.constant 0 : i32
        %dma_start3A_244 = arith.constant 0 : i32
        %dma_start3A_245 = tpu.memref_slice %arg7[%dma_start3A, %dma_start3A_236, %dma_start3A_243, %dma_start3A_244] : memref<2x2x64x128xf32, #tpu.memory_space<vmem>> -> memref<1x1x64x128xf32, #tpu.memory_space<vmem>>
        %dma_start3A_246 = tpu.memref_squeeze %dma_start3A_245 : memref<1x1x64x128xf32, #tpu.memory_space<vmem>> -> memref<64x128xf32, #tpu.memory_space<vmem>>
        %dma_start3A_247 = arith.constant 0 : i32
        %dma_start3A_248 = tpu.memref_slice %arg4[%dma_start3A_247, %multiple_of3A_208] : memref<64x500000xf32, #tpu.memory_space<hbm>> -> memref<64x128xf32, #tpu.memory_space<hbm>>
        tpu.enqueue_dma source(%dma_start3A_248 : memref<64x128xf32, #tpu.memory_space<hbm>>) target(%dma_start3A_246 : memref<64x128xf32, #tpu.memory_space<vmem>>) target_semaphore(%arg10 : memref<!tpu.dma_semaphore, #tpu.memory_space<semaphore_mem>>)
      } else {
      }
      %eq3A_216 = arith.constant 0 : i32
      %eq3A_217 = arith.cmpi eq, %squeeze3A_210, %eq3A_216 : i32
      %convert_element_type3A_218 = arith.extui %eq3A_217 : i1 to i32
      %cond3A_219 = arith.constant 0 : i32
      %cond3A_220 = arith.cmpi ne, %convert_element_type3A_218, %cond3A_219 : i32
      scf.if %cond3A_220 {
        %dma_start3A = arith.constant 1 : i32
        %dma_start3A_236 = arith.constant 0 : i32
        %dma_start3A_237 = arith.constant 0 : i32
        %dma_start3A_238 = arith.constant 0 : i32
        %dma_start3A_239 = tpu.memref_slice %arg7[%dma_start3A, %dma_start3A_236, %dma_start3A_237, %dma_start3A_238] : memref<2x2x64x128xf32, #tpu.memory_space<vmem>> -> memref<1x1x64x128xf32, #tpu.memory_space<vmem>>
        %dma_start3A_240 = tpu.memref_squeeze %dma_start3A_239 : memref<1x1x64x128xf32, #tpu.memory_space<vmem>> -> memref<64x128xf32, #tpu.memory_space<vmem>>
        %dma_start3A_241 = arith.constant 0 : i32
        %dma_start3A_242 = tpu.memref_slice %arg3[%dma_start3A_241, %multiple_of3A_208] : memref<64x500000xf32, #tpu.memory_space<hbm>> -> memref<64x128xf32, #tpu.memory_space<hbm>>
        %dma_start3A_243 = arith.constant 0 : i32
        %dma_start3A_244 = arith.constant 0 : i32
        %dma_start3A_245 = tpu.memref_slice %arg7[%dma_start3A, %dma_start3A_236, %dma_start3A_243, %dma_start3A_244] : memref<2x2x64x128xf32, #tpu.memory_space<vmem>> -> memref<1x1x64x128xf32, #tpu.memory_space<vmem>>
        %dma_start3A_246 = tpu.memref_squeeze %dma_start3A_245 : memref<1x1x64x128xf32, #tpu.memory_space<vmem>> -> memref<64x128xf32, #tpu.memory_space<vmem>>
        %dma_start3A_247 = arith.constant 0 : i32
        %dma_start3A_248 = tpu.memref_slice %arg3[%dma_start3A_247, %multiple_of3A_208] : memref<64x500000xf32, #tpu.memory_space<hbm>> -> memref<64x128xf32, #tpu.memory_space<hbm>>
        tpu.enqueue_dma source(%dma_start3A_248 : memref<64x128xf32, #tpu.memory_space<hbm>>) target(%dma_start3A_246 : memref<64x128xf32, #tpu.memory_space<vmem>>) target_semaphore(%arg10 : memref<!tpu.dma_semaphore, #tpu.memory_space<semaphore_mem>>)
      } else {
      }
      %slice3A_221 = vector.extract_strided_slice %shift_left3A_192 {offsets = [1], sizes = [1], strides = [1]} : vector<16xi32> to vector<1xi32>
      %squeeze3A_222 = vector.extract %slice3A_221[0] : i32 from vector<1xi32>
      %multiple_of3A_223 = tpu.assume_multiple %squeeze3A_222, 128 : i32
      %slice3A_224 = vector.extract_strided_slice %select_n3A_205 {offsets = [1], sizes = [1], strides = [1]} : vector<16xi32> to vector<1xi32>
      %squeeze3A_225 = vector.extract %slice3A_224[0] : i32 from vector<1xi32>
      %ne3A_226 = arith.constant 0 : i32
      %ne3A_227 = arith.cmpi ne, %squeeze3A_225, %ne3A_226 : i32
      %convert_element_type3A_228 = arith.extui %ne3A_227 : i1 to i32
      %cond3A_229 = arith.constant 0 : i32
      %cond3A_230 = arith.cmpi ne, %convert_element_type3A_228, %cond3A_229 : i32
      scf.if %cond3A_230 {
        %dma_start3A = arith.constant 1 : i32
        %dma_start3A_236 = arith.constant 1 : i32
        %dma_start3A_237 = arith.constant 0 : i32
        %dma_start3A_238 = arith.constant 0 : i32
        %dma_start3A_239 = tpu.memref_slice %arg7[%dma_start3A, %dma_start3A_236, %dma_start3A_237, %dma_start3A_238] : memref<2x2x64x128xf32, #tpu.memory_space<vmem>> -> memref<1x1x64x128xf32, #tpu.memory_space<vmem>>
        %dma_start3A_240 = tpu.memref_squeeze %dma_start3A_239 : memref<1x1x64x128xf32, #tpu.memory_space<vmem>> -> memref<64x128xf32, #tpu.memory_space<vmem>>
        %dma_start3A_241 = arith.constant 0 : i32
        %dma_start3A_242 = tpu.memref_slice %arg4[%dma_start3A_241, %multiple_of3A_223] : memref<64x500000xf32, #tpu.memory_space<hbm>> -> memref<64x128xf32, #tpu.memory_space<hbm>>
        %dma_start3A_243 = arith.constant 0 : i32
        %dma_start3A_244 = arith.constant 0 : i32
        %dma_start3A_245 = tpu.memref_slice %arg7[%dma_start3A, %dma_start3A_236, %dma_start3A_243, %dma_start3A_244] : memref<2x2x64x128xf32, #tpu.memory_space<vmem>> -> memref<1x1x64x128xf32, #tpu.memory_space<vmem>>
        %dma_start3A_246 = tpu.memref_squeeze %dma_start3A_245 : memref<1x1x64x128xf32, #tpu.memory_space<vmem>> -> memref<64x128xf32, #tpu.memory_space<vmem>>
        %dma_start3A_247 = arith.constant 0 : i32
        %dma_start3A_248 = tpu.memref_slice %arg4[%dma_start3A_247, %multiple_of3A_223] : memref<64x500000xf32, #tpu.memory_space<hbm>> -> memref<64x128xf32, #tpu.memory_space<hbm>>
        tpu.enqueue_dma source(%dma_start3A_248 : memref<64x128xf32, #tpu.memory_space<hbm>>) target(%dma_start3A_246 : memref<64x128xf32, #tpu.memory_space<vmem>>) target_semaphore(%arg10 : memref<!tpu.dma_semaphore, #tpu.memory_space<semaphore_mem>>)
      } else {
      }
      %eq3A_231 = arith.constant 0 : i32
      %eq3A_232 = arith.cmpi eq, %squeeze3A_225, %eq3A_231 : i32
      %convert_element_type3A_233 = arith.extui %eq3A_232 : i1 to i32
      %cond3A_234 = arith.constant 0 : i32
      %cond3A_235 = arith.cmpi ne, %convert_element_type3A_233, %cond3A_234 : i32
      scf.if %cond3A_235 {
        %dma_start3A = arith.constant 1 : i32
        %dma_start3A_236 = arith.constant 1 : i32
        %dma_start3A_237 = arith.constant 0 : i32
        %dma_start3A_238 = arith.constant 0 : i32
        %dma_start3A_239 = tpu.memref_slice %arg7[%dma_start3A, %dma_start3A_236, %dma_start3A_237, %dma_start3A_238] : memref<2x2x64x128xf32, #tpu.memory_space<vmem>> -> memref<1x1x64x128xf32, #tpu.memory_space<vmem>>
        %dma_start3A_240 = tpu.memref_squeeze %dma_start3A_239 : memref<1x1x64x128xf32, #tpu.memory_space<vmem>> -> memref<64x128xf32, #tpu.memory_space<vmem>>
        %dma_start3A_241 = arith.constant 0 : i32
        %dma_start3A_242 = tpu.memref_slice %arg3[%dma_start3A_241, %multiple_of3A_223] : memref<64x500000xf32, #tpu.memory_space<hbm>> -> memref<64x128xf32, #tpu.memory_space<hbm>>
        %dma_start3A_243 = arith.constant 0 : i32
        %dma_start3A_244 = arith.constant 0 : i32
        %dma_start3A_245 = tpu.memref_slice %arg7[%dma_start3A, %dma_start3A_236, %dma_start3A_243, %dma_start3A_244] : memref<2x2x64x128xf32, #tpu.memory_space<vmem>> -> memref<1x1x64x128xf32, #tpu.memory_space<vmem>>
        %dma_start3A_246 = tpu.memref_squeeze %dma_start3A_245 : memref<1x1x64x128xf32, #tpu.memory_space<vmem>> -> memref<64x128xf32, #tpu.memory_space<vmem>>
        %dma_start3A_247 = arith.constant 0 : i32
        %dma_start3A_248 = tpu.memref_slice %arg3[%dma_start3A_247, %multiple_of3A_223] : memref<64x500000xf32, #tpu.memory_space<hbm>> -> memref<64x128xf32, #tpu.memory_space<hbm>>
        tpu.enqueue_dma source(%dma_start3A_248 : memref<64x128xf32, #tpu.memory_space<hbm>>) target(%dma_start3A_246 : memref<64x128xf32, #tpu.memory_space<vmem>>) target_semaphore(%arg10 : memref<!tpu.dma_semaphore, #tpu.memory_space<semaphore_mem>>)
      } else {
      }
    }
    %scan3A_6 = arith.constant 129 : i32
    %dma_wait3A = arith.constant 0 : i32
    %dma_wait3A_7 = arith.constant 0 : i32
    %dma_wait3A_8 = arith.constant 0 : i32
    %dma_wait3A_9 = arith.constant 0 : i32
    %dma_wait3A_10 = tpu.memref_slice %arg7[%dma_wait3A, %dma_wait3A_7, %dma_wait3A_8, %dma_wait3A_9] : memref<2x2x64x128xf32, #tpu.memory_space<vmem>> -> memref<1x1x64x128xf32, #tpu.memory_space<vmem>>
    %dma_wait3A_11 = tpu.memref_squeeze %dma_wait3A_10 : memref<1x1x64x128xf32, #tpu.memory_space<vmem>> -> memref<64x128xf32, #tpu.memory_space<vmem>>
    %dma_wait3A_12 = arith.constant 0 : i32
    %dma_wait3A_13 = arith.constant 0 : i32
    %dma_wait3A_14 = tpu.memref_slice %arg3[%dma_wait3A_12, %dma_wait3A_13] : memref<64x500000xf32, #tpu.memory_space<hbm>> -> memref<64x128xf32, #tpu.memory_space<hbm>>
    %dma_wait3A_15 = arith.constant 0 : i32
    %dma_wait3A_16 = arith.constant 0 : i32
    %dma_wait3A_17 = tpu.memref_slice %arg7[%dma_wait3A, %dma_wait3A_7, %dma_wait3A_15, %dma_wait3A_16] : memref<2x2x64x128xf32, #tpu.memory_space<vmem>> -> memref<1x1x64x128xf32, #tpu.memory_space<vmem>>
    %dma_wait3A_18 = tpu.memref_squeeze %dma_wait3A_17 : memref<1x1x64x128xf32, #tpu.memory_space<vmem>> -> memref<64x128xf32, #tpu.memory_space<vmem>>
    %dma_wait3A_19 = arith.constant 0 : i32
    %dma_wait3A_20 = arith.constant 0 : i32
    %dma_wait3A_21 = tpu.memref_slice %arg3[%dma_wait3A_19, %dma_wait3A_20] : memref<64x500000xf32, #tpu.memory_space<hbm>> -> memref<64x128xf32, #tpu.memory_space<hbm>>
    tpu.wait_dma2 semaphore(%arg9 : memref<!tpu.dma_semaphore, #tpu.memory_space<semaphore_mem>>) src(%dma_wait3A_21 : memref<64x128xf32, #tpu.memory_space<hbm>>) dst(%dma_wait3A_18 : memref<64x128xf32, #tpu.memory_space<vmem>>)
    %dma_wait3A_22 = arith.constant 0 : i32
    %dma_wait3A_23 = arith.constant 1 : i32
    %dma_wait3A_24 = arith.constant 0 : i32
    %dma_wait3A_25 = arith.constant 0 : i32
    %dma_wait3A_26 = tpu.memref_slice %arg7[%dma_wait3A_22, %dma_wait3A_23, %dma_wait3A_24, %dma_wait3A_25] : memref<2x2x64x128xf32, #tpu.memory_space<vmem>> -> memref<1x1x64x128xf32, #tpu.memory_space<vmem>>
    %dma_wait3A_27 = tpu.memref_squeeze %dma_wait3A_26 : memref<1x1x64x128xf32, #tpu.memory_space<vmem>> -> memref<64x128xf32, #tpu.memory_space<vmem>>
    %dma_wait3A_28 = arith.constant 0 : i32
    %dma_wait3A_29 = arith.constant 0 : i32
    %dma_wait3A_30 = tpu.memref_slice %arg3[%dma_wait3A_28, %dma_wait3A_29] : memref<64x500000xf32, #tpu.memory_space<hbm>> -> memref<64x128xf32, #tpu.memory_space<hbm>>
    %dma_wait3A_31 = arith.constant 0 : i32
    %dma_wait3A_32 = arith.constant 0 : i32
    %dma_wait3A_33 = tpu.memref_slice %arg7[%dma_wait3A_22, %dma_wait3A_23, %dma_wait3A_31, %dma_wait3A_32] : memref<2x2x64x128xf32, #tpu.memory_space<vmem>> -> memref<1x1x64x128xf32, #tpu.memory_space<vmem>>
    %dma_wait3A_34 = tpu.memref_squeeze %dma_wait3A_33 : memref<1x1x64x128xf32, #tpu.memory_space<vmem>> -> memref<64x128xf32, #tpu.memory_space<vmem>>
    %dma_wait3A_35 = arith.constant 0 : i32
    %dma_wait3A_36 = arith.constant 0 : i32
    %dma_wait3A_37 = tpu.memref_slice %arg3[%dma_wait3A_35, %dma_wait3A_36] : memref<64x500000xf32, #tpu.memory_space<hbm>> -> memref<64x128xf32, #tpu.memory_space<hbm>>
    tpu.wait_dma2 semaphore(%arg9 : memref<!tpu.dma_semaphore, #tpu.memory_space<semaphore_mem>>) src(%dma_wait3A_37 : memref<64x128xf32, #tpu.memory_space<hbm>>) dst(%dma_wait3A_34 : memref<64x128xf32, #tpu.memory_space<vmem>>)
    %dma_wait3A_38 = arith.constant 1 : i32
    %dma_wait3A_39 = arith.constant 0 : i32
    %dma_wait3A_40 = arith.constant 0 : i32
    %dma_wait3A_41 = arith.constant 0 : i32
    %dma_wait3A_42 = tpu.memref_slice %arg7[%dma_wait3A_38, %dma_wait3A_39, %dma_wait3A_40, %dma_wait3A_41] : memref<2x2x64x128xf32, #tpu.memory_space<vmem>> -> memref<1x1x64x128xf32, #tpu.memory_space<vmem>>
    %dma_wait3A_43 = tpu.memref_squeeze %dma_wait3A_42 : memref<1x1x64x128xf32, #tpu.memory_space<vmem>> -> memref<64x128xf32, #tpu.memory_space<vmem>>
    %dma_wait3A_44 = arith.constant 0 : i32
    %dma_wait3A_45 = arith.constant 0 : i32
    %dma_wait3A_46 = tpu.memref_slice %arg3[%dma_wait3A_44, %dma_wait3A_45] : memref<64x500000xf32, #tpu.memory_space<hbm>> -> memref<64x128xf32, #tpu.memory_space<hbm>>
    %dma_wait3A_47 = arith.constant 0 : i32
    %dma_wait3A_48 = arith.constant 0 : i32
    %dma_wait3A_49 = tpu.memref_slice %arg7[%dma_wait3A_38, %dma_wait3A_39, %dma_wait3A_47, %dma_wait3A_48] : memref<2x2x64x128xf32, #tpu.memory_space<vmem>> -> memref<1x1x64x128xf32, #tpu.memory_space<vmem>>
    %dma_wait3A_50 = tpu.memref_squeeze %dma_wait3A_49 : memref<1x1x64x128xf32, #tpu.memory_space<vmem>> -> memref<64x128xf32, #tpu.memory_space<vmem>>
    %dma_wait3A_51 = arith.constant 0 : i32
    %dma_wait3A_52 = arith.constant 0 : i32
    %dma_wait3A_53 = tpu.memref_slice %arg3[%dma_wait3A_51, %dma_wait3A_52] : memref<64x500000xf32, #tpu.memory_space<hbm>> -> memref<64x128xf32, #tpu.memory_space<hbm>>
    tpu.wait_dma2 semaphore(%arg10 : memref<!tpu.dma_semaphore, #tpu.memory_space<semaphore_mem>>) src(%dma_wait3A_53 : memref<64x128xf32, #tpu.memory_space<hbm>>) dst(%dma_wait3A_50 : memref<64x128xf32, #tpu.memory_space<vmem>>)
    %dma_wait3A_54 = arith.constant 1 : i32
    %dma_wait3A_55 = arith.constant 1 : i32
    %dma_wait3A_56 = arith.constant 0 : i32
    %dma_wait3A_57 = arith.constant 0 : i32
    %dma_wait3A_58 = tpu.memref_slice %arg7[%dma_wait3A_54, %dma_wait3A_55, %dma_wait3A_56, %dma_wait3A_57] : memref<2x2x64x128xf32, #tpu.memory_space<vmem>> -> memref<1x1x64x128xf32, #tpu.memory_space<vmem>>
    %dma_wait3A_59 = tpu.memref_squeeze %dma_wait3A_58 : memref<1x1x64x128xf32, #tpu.memory_space<vmem>> -> memref<64x128xf32, #tpu.memory_space<vmem>>
    %dma_wait3A_60 = arith.constant 0 : i32
    %dma_wait3A_61 = arith.constant 0 : i32
    %dma_wait3A_62 = tpu.memref_slice %arg3[%dma_wait3A_60, %dma_wait3A_61] : memref<64x500000xf32, #tpu.memory_space<hbm>> -> memref<64x128xf32, #tpu.memory_space<hbm>>
    %dma_wait3A_63 = arith.constant 0 : i32
    %dma_wait3A_64 = arith.constant 0 : i32
    %dma_wait3A_65 = tpu.memref_slice %arg7[%dma_wait3A_54, %dma_wait3A_55, %dma_wait3A_63, %dma_wait3A_64] : memref<2x2x64x128xf32, #tpu.memory_space<vmem>> -> memref<1x1x64x128xf32, #tpu.memory_space<vmem>>
    %dma_wait3A_66 = tpu.memref_squeeze %dma_wait3A_65 : memref<1x1x64x128xf32, #tpu.memory_space<vmem>> -> memref<64x128xf32, #tpu.memory_space<vmem>>
    %dma_wait3A_67 = arith.constant 0 : i32
    %dma_wait3A_68 = arith.constant 0 : i32
    %dma_wait3A_69 = tpu.memref_slice %arg3[%dma_wait3A_67, %dma_wait3A_68] : memref<64x500000xf32, #tpu.memory_space<hbm>> -> memref<64x128xf32, #tpu.memory_space<hbm>>
    tpu.wait_dma2 semaphore(%arg10 : memref<!tpu.dma_semaphore, #tpu.memory_space<semaphore_mem>>) src(%dma_wait3A_69 : memref<64x128xf32, #tpu.memory_space<hbm>>) dst(%dma_wait3A_66 : memref<64x128xf32, #tpu.memory_space<vmem>>)
    "tpu.region"() ({
      %run_scoped3A = tpu.sem_alloc : memref<!tpu.dma_semaphore, #tpu.memory_space<semaphore_mem>>
      %dma_start3A = arith.constant 0 : i32
      %dma_start3A_70 = tpu.memref_slice %arg5[%mul3A_2, %dma_start3A] : memref<16384x64xf32, #tpu.memory_space<hbm>> -> memref<512x64xf32, #tpu.memory_space<hbm>>
      %dma_start3A_71 = arith.constant 0 : i32
      %dma_start3A_72 = tpu.memref_slice %arg5[%mul3A_2, %dma_start3A_71] : memref<16384x64xf32, #tpu.memory_space<hbm>> -> memref<512x64xf32, #tpu.memory_space<hbm>>
      tpu.enqueue_dma source(%arg8 : memref<512x64xf32, #tpu.memory_space<vmem>>) target(%dma_start3A_72 : memref<512x64xf32, #tpu.memory_space<hbm>>) target_semaphore(%run_scoped3A : memref<!tpu.dma_semaphore, #tpu.memory_space<semaphore_mem>>)
      %dma_wait3A_73 = arith.constant 0 : i32
      %dma_wait3A_74 = tpu.memref_slice %arg5[%mul3A_2, %dma_wait3A_73] : memref<16384x64xf32, #tpu.memory_space<hbm>> -> memref<512x64xf32, #tpu.memory_space<hbm>>
      %dma_wait3A_75 = arith.constant 0 : i32
      %dma_wait3A_76 = tpu.memref_slice %arg5[%mul3A_2, %dma_wait3A_75] : memref<16384x64xf32, #tpu.memory_space<hbm>> -> memref<512x64xf32, #tpu.memory_space<hbm>>
      tpu.wait_dma2 semaphore(%run_scoped3A : memref<!tpu.dma_semaphore, #tpu.memory_space<semaphore_mem>>) src(%arg8 : memref<512x64xf32, #tpu.memory_space<vmem>>) dst(%dma_wait3A_76 : memref<512x64xf32, #tpu.memory_space<hbm>>)
      tpu.yield
    }) : () -> ()
    return
  }
}

</mosaic_0001>

<sc_bundles>
// kernel: _hybrid_features.3.cloned.1.call-start
scs
__scs_entry_jumppad:
0x0: {  	(pc) =	sbr.rel $0x88, $3  }
0x1: {  	(tag) =	ssettag $0x0;
	lr =	simm.s32 $0x1  }
0x2: {  	[smem:$0x3F9E] =	sst lr;
	_ =	strace $0xD0000000  }
0x3: {  	_ = 	snop  }
0x4: {  	_ = 	snop  }
0x5: {  	_ = 	snop  }
0x6: {  	_ = 	snop  }
0x7: {  	_ = 	snop  }
__scs_overlays_trampoline_lowered:
0x8: {  	[smem:$0x3FAD] =	sst s0  }
0x9: {  	[smem:$0x3FAE] =	sst s1  }
0xa: {  	[smem:$0x3FAF] =	sst s2  }
0xb: {  	[smem:$0x3FB0] =	sst s3  }
0xc: {  	[smem:$0x3FB1] =	sst s4  }
0xd: {  	[smem:$0x3FB2] =	sst s5  }
0xe: {  	[smem:$0x3FB3] =	sst s6  }
0xf: {  	[smem:$0x3FB4] =	sst s7  }
0x10: {  	[smem:$0x3FB5] =	sst s8  }
0x11: {  	[smem:$0x3FB6] =	sst s9;
	s0 =	simm.s32 @!p0 $0x0  }
0x12: {  	s1 =	sld [smem:$0x3F9C];
	s0 =	simm.s32 @p0 $0x1  }
0x13: {  	[smem:$0x3FB7] =	sst s0;
	s0 =	simm.s32 @!p1 $0x0  }
0x14: {  	s2 =	sld [smem:$0x3F9B];
	s0 =	simm.s32 @p1 $0x1  }
0x15: {  	[smem:$0x3FB8] =	sst s0;
	s0 =	simm.s32 @!p2 $0x0  }
0x16: {  	s3 =	sld [smem:$0x3FDB];
	s0 =	simm.s32 @p2 $0x1  }
0x17: {  	s4 =	simm.s32 $0x1BF5;
	[smem:$0x3FBA] =	sst s0  }
0x18: {  	s0 =	sld [smem:$0x3F9D];
	_ =	swait.ge [sflag:s4], $0x0  }
0x19: {  	s7 =	sld [smem:$0x3F9E]  }
0x1a: {  	s8 =	sadd.s32 $0xFFFFE003, lr  }
0x1b: {  	s9 =	sadd.s32 $0xFFFFFEF7, lr;
	s5 =	simm.s32 $0xFFFFFFFF;
	p2 =	slt.u32 s8, $0xFFFFF086  }
0x1c: {  	p1 =	slt.u32 s9, $0xF7A;
	s5 =	simm.s32 @!p2 $0x0  }
0x1d: {  	s5 =	simm.s32 @p1 $0x1;
	p0 =	seq.s32 s7, s2  }
0x1e: {  	s7 =	smul.u32 @!p0 $0xF7A, s2;
	p2 =	seq.s32 @!p0 s5, $0x0  }
0x1f: {  	s9 =	smul.u32 $0xF7A, s1;
	s8 =	simm.s32 @!p0 $0x1BF5;
	p2 =	por !p2, p0  }
0x20: {  	[sflag:s8] =	ssyncset.s32 @!p0 $0xFFFFF086;
	s6 =	sadd.s32 @!p0 s3, s7;
	s7 =	simm.s32 @!p0 $0x108  }
0x21: {  	s3 =	sadd.s32 s3, s9;
	s6 =	sadd.s32 @!p0 $0x88, s6;
	s7 =	simm.s32 @p2 $0x1082  }
0x22: {  	[simem:s7], [sflag:s8] =	dma.local @!p0 [hbm:s6], $0xF7A  }
0x23: {  	s9 =	sor.u32 $0xD0000000, s2;
	s6 =	simm.s32 $0x108;
	_ =	swait.ge @!p0 [sflag:s8], $0x0  }
0x24: {  	s3 =	sadd.s32 $0x88, s3;
	s6 =	simm.s32 @!p1 $0x1082;
	[sflag:s4] =	ssyncset.s32 $0xFFFFF086  }
0x25: {  	[simem:s6], [sflag:s4] =	dma.local [hbm:s3], $0xF7A  }
0x26: {  	[smem:$0x3F9E] =	sst s1;
	(tag) =	ssettag s2;
	_ =	strace s9  }
0x27: {  	s1 =	sld [smem:$0x3FAE]  }
0x28: {  	s2 =	sld [smem:$0x3FAF]  }
0x29: {  	s4 =	sld [smem:$0x3FB1]  }
0x2a: {  	p0 =	seq.s32 s5, $0x0;
	s5 =	sld [smem:$0x3FB2]  }
0x2b: {  	s6 =	sld [smem:$0x3FB3]  }
0x2c: {  	s7 =	sld [smem:$0x3FB4]  }
0x2d: {  	s3 =	simm.s32 $0x108;
	s8 =	sld [smem:$0x3FB5]  }
0x2e: {  	s3 =	simm.s32 @!p0 $0x1082;
	s9 =	sld [smem:$0x3FB6]  }
0x2f: {  	lr =	sadd.s32 s0, s3;
	s0 =	sld [smem:$0x3FAD]  }
0x30: {  	s3 =	sld [smem:$0x3FB0]  }
0x31: {  	[smem:$0x3FB9] =	sst s10  }
0x32: {  	s10 =	sld [smem:$0x3FB7];
	_ =	sdelay $0x3  }
0x33: {  	p0 =	seq.s32 s10, $0x1;
	s10 =	sld [smem:$0x3FB9];
	_ =	sdelay $0x3  }
0x34: {  	[smem:$0x3FB9] =	sst s10  }
0x35: {  	s10 =	sld [smem:$0x3FB8];
	_ =	sdelay $0x3  }
0x36: {  	p1 =	seq.s32 s10, $0x1;
	s10 =	sld [smem:$0x3FB9];
	_ =	sdelay $0x3  }
0x37: {  	[smem:$0x3FB9] =	sst s10  }
0x38: {  	s10 =	sld [smem:$0x3FBA]  }
0x39: {  	_ = 	snop;
	(pc) =	sbr.ind lr, $3  }
0x3a: {  	_ = 	snop  }
0x3b: {  	_ = 	snop  }
0x3c: {  	p2 =	seq.s32 s10, $0x1;
	s10 =	sld [smem:$0x3FB9]  }
0x3d: {  	_ =	shalt  }
0x3e: {  	_ =	shalt  }
0x3f: {  	_ =	shalt  }
0x40: {  	_ =	shalt  }
0x41: {  	_ =	shalt  }
0x42: {  	_ =	shalt  }
0x43: {  	_ =	shalt  }
0x44: {  	_ =	shalt  }
0x45: {  	_ =	shalt  }
0x46: {  	_ =	shalt  }
0x47: {  	_ =	shalt  }
0x48: {  	_ =	shalt  }
0x49: {  	_ =	shalt  }
0x4a: {  	_ =	shalt  }
0x4b: {  	_ =	shalt  }
0x4c: {  	_ =	shalt  }
0x4d: {  	_ =	shalt  }
0x4e: {  	_ =	shalt  }
0x4f: {  	_ =	shalt  }
0x50: {  	_ =	shalt  }
0x51: {  	_ =	shalt  }
0x52: {  	_ =	shalt  }
0x53: {  	_ =	shalt  }
0x54: {  	_ =	shalt  }
0x55: {  	_ =	shalt  }
0x56: {  	_ =	shalt  }
0x57: {  	_ =	shalt  }
0x58: {  	_ =	shalt  }
0x59: {  	_ =	shalt  }
0x5a: {  	_ =	shalt  }
0x5b: {  	_ =	shalt  }
0x5c: {  	_ =	shalt  }
0x5d: {  	_ =	shalt  }
0x5e: {  	_ =	shalt  }
0x5f: {  	_ =	shalt  }
0x60: {  	_ =	shalt  }
0x61: {  	_ =	shalt  }
0x62: {  	_ =	shalt  }
0x63: {  	_ =	shalt  }
0x64: {  	_ =	shalt  }
0x65: {  	_ =	shalt  }
0x66: {  	_ =	shalt  }
0x67: {  	_ =	shalt  }
0x68: {  	_ =	shalt  }
0x69: {  	_ =	shalt  }
0x6a: {  	_ =	shalt  }
0x6b: {  	_ =	shalt  }
0x6c: {  	_ =	shalt  }
0x6d: {  	_ =	shalt  }
0x6e: {  	_ =	shalt  }
0x6f: {  	_ =	shalt  }
0x70: {  	_ =	shalt  }
0x71: {  	_ =	shalt  }
0x72: {  	_ =	shalt  }
0x73: {  	_ =	shalt  }
0x74: {  	_ =	shalt  }
0x75: {  	_ =	shalt  }
0x76: {  	_ =	shalt  }
0x77: {  	_ =	shalt  }
0x78: {  	_ =	shalt  }
0x79: {  	_ =	shalt  }
0x7a: {  	_ =	shalt  }
0x7b: {  	_ =	shalt  }
0x7c: {  	_ =	shalt  }
0x7d: {  	_ =	shalt  }
0x7e: {  	_ =	shalt  }
0x7f: {  	_ =	shalt  }
0x80: {  	_ =	shalt  }
0x81: {  	_ =	shalt  }
0x82: {  	_ =	shalt  }
0x83: {  	_ =	shalt  }
0x84: {  	_ =	shalt  }
0x85: {  	_ =	shalt  }
0x86: {  	_ =	shalt  }
0x87: {  	_ =	shalt  }
.Lfunc_end0:
.L_simem_size_0:
called_computation_lowered:
.L_overlay_start_0:
0x88: {  	s2 =	sld [smem:$0x3FD9]  }
0x89: {  	s3 =	sld [smem:$0x3FFE];
	_ =	sdelay $0x1  }
0x8a: {  	s1 =	srdreg.scid  }
0x8b: {  	s0 =	sand.u32 $0x1, s1  }
0x8c: {  	s17 =	sshll.u32 s0, $0xA;
	s2 =	sadd.s32 s3, s2  }
0x8d: {  	s2 =	sadd.s32 s2, s17  }
0x8e: {  	[smem:$0x3FC5] =	sst s2  }
0x8f: {  	_ = 	snop  }
0x90: {  	s2 =	sld [smem:$0x3FC9]  }
0x91: {  	s18 =	sld [smem:$0x3FC8]  }
0x92: {  	s4 =	sld [smem:$0x3FC7];
	(tm) =	ssettm $0x1  }
0x93: {  	s5 =	sld [smem:$0x3FFB];
	_ =	sdelay $0x3  }
0x94: {  	_ =	strace s5  }
0x95: {  	s5 =	sld [smem:$0x3FFC];
	_ =	sdelay $0x3  }
0x96: {  	_ =	strace s5  }
0x97: {  	s5 =	sld [smem:$0x3FFD];
	_ =	sdelay $0x3  }
0x98: {  	_ =	strace s5  }
0x99: {  	_ =	strace $0x8FFFFFFF  }
0x9a: {  	s19 =	sld [smem:$0x3FDB];
	_ =	sdelay $0x1  }
0x9b: {  	s6 =	simm.s32 $_scs_section_size  }
0x9c: {  	s7 =	simm.s32 $_size__tile_overlayer_lowered;
	s8 =	simm.s32 $_tile_overlayer_lowered  }
0x9d: {  	s22 =	simm.s32 $0x1BFF;
	s21 =	sshll.u32 s8, $0x1;
	s5 =	sadd.s32 s6, s19  }
0x9e: {  	s9 =	simm.s32 $0x0;
	s20 =	sshll.u32 s7, $0x1;
	s7 =	sadd.s32 s21, s5  }
0x9f: {  	[timem:s9], [sflag:s22] =	dma.local [hbm:s7], s20  }
0xa0: {  	_ =	swait.ge [sflag:s22], s20  }
0xa1: {  	s6 =	ssub.s32 $0x0, s20;
	[sflag:s22] =	ssyncset.done $0x0  }
0xa2: {  	[sflag:s22] =	ssyncadd.s32 s6;
	_ =	sdelay $0x1  }
0xa3: {  	s23 =	simm.s32 $0x1B8B  }
0xa4: {  	_ =	swait.ge [sflag:s23], $0x1  }
0xa5: {  	[sflag:s23] =	ssyncset.done $0x0  }
0xa6: {  	s25 =	simm.s32 $0x1B8E;
	s24 =	sld [smem:$0x3FFE];
	[sflag:s23] =	ssyncadd.s32 $0xFFFFFFFF  }
0xa7: {  	s26 =	simm.s32 $execute0_lowered;
	[smem:$0x3FD2] =	sst s25  }
0xa8: {  	s7 =	sshll.u32 s26, $0x1;
	_ =	strace $0x80000046;
	[dreg:$0x1] =	wrdreg $0xFFFFFFFF  }
0xa9: {  	s28 =	simm.s32 $_size_execute0_lowered;
	s5 =	sadd.s32 s5, s7;
	[dreg:$0x0] =	wrdreg $0x0  }
0xaa: {  	s7 =	sshll.u32 s28, $0x1;
	[dreg:$0x2] =	wrdreg s5  }
0xab: {  	[dreg:$0x3] =	wrdreg s7  }
0xac: {  	[dreg:$0x4] =	wrdreg $0xC0  }
0xad: {  	_ =	task [dreg:s9], $0x5FFFF  }
0xae: {  	[dreg:$0x1] =	wrdreg $0xFFFFFFFF  }
0xaf: {  	[dreg:$0x0] =	wrdreg $0x60  }
0xb0: {  	[dreg:$0x2] =	wrdreg s2  }
0xb1: {  	[dreg:$0x3] =	wrdreg s18  }
0xb2: {  	[dreg:$0x4] =	wrdreg s4  }
0xb3: {  	[dreg:$0x5] =	wrdreg s24  }
0xb4: {  	[dreg:$0x6] =	wrdreg $0x9  }
0xb5: {  	_ =	task.clear_ibuf [dreg:s9], $0x7FFFF;
	_ =	strace $0x90000046  }
0xb6: {  	s29 =	simm.s32 $0x9;
	_ =	strace $0x80000048  }
0xb7: {  	_ =	swait.ge [sflag:s29], $0x1  }
0xb8: {  	[sflag:s29] =	ssyncadd.s32 $0xFFFFFFFF  }
0xb9: {  	_ =	strace $0x90000048  }
0xba: {  	_ =	sfence  }
0xbb: {  	s30 =	sld [smem:$0x0];
	_ =	sdelay $0x2  }
0xbc: {  	s31 =	sshll.u32 s1, $0xD;
	s1 =	sshrl.u32 s1, $0x2  }
0xbd: {  	s3 =	sand.u32 $0x4000, s31;
	s1 =	sadd.s32 s1, s30  }
0xbe: {  	s0 =	sor.u32 s3, s0;
	s1 =	sshll.u32 s1, $0x11  }
0xbf: {  	s0 =	sor.u32 s1, s0  }
0xc0: {  	s0 =	sadd.s32 $0x8F2B, s0  }
0xc1: {  	[sflag:s0] =	ssyncadd.remote.s32 $0x1  }
0xc2: {  	_ =	sfence.sel $0xFFFF  }
0xc3: {  	[dreg:$0x0] =	wrdreg $0xFFFFFFFF;
	(pc) =	sbr.abs _section_cstart, $3  }
0xc4: {  	[dreg:$0x1] =	wrdreg $0xFFFFFFFF  }
0xc5: {  	_ =	task.clear_ibuf [dreg:s9], $0x2FFFF;
	_ =	strace $0x9FFFFFFF  }
0xc6: {  	(tm) =	ssettm $0x7FFFFFFF  }
0xc7: {  	_ =	shalt  }
tec
execute0_lowered:
.L_overlay_start_1:
0x0: {  	(tag) =	ssettag $0x1  }
0x1: {  	s5 =	rddreg [dreg:$0x0]  }
0x2: {  	s1 =	rddreg [dreg:$0x1]  }
0x3: {  	s3 =	rddreg [dreg:$0x2]  }
0x4: {  	s6 =	rddreg [dreg:$0x3];
	s4 =	srdreg.scid  }
0x5: {  	s0 =	rddreg [dreg:$0x4];
	s2 =	stileid.u32;
	s29 =	simm.s32 $0x280  }
0x6: {  	s30 =	simm.s32 $0x2280;
	s31 =	simm.s32 $0x4280;
	s11 =	simm.s32 $0x6280  }
0x7: {  	s12 =	simm.s32 $0x2;
	s7 =	sand.u32 $0x1, s4;
	s4 =	simm.s32 $0x0  }
0x8: {  	s13 =	simm.s32 $0x8280;
	s14 =	simm.s32 $0x0;
	[smem:$0x7FF] =	sst s4  }
0x9: {  	s8 =	sshll.u32 s2, $0xA;
	_ =	strace $0x80000047;
	[dreg:$0x5] =	wrdreg s29  }
0xa: {  	s9 =	sshll.u32 s7, $0x9;
	s7 =	ssub.s32 $0x2, s7;
	[dreg:$0x6] =	wrdreg s30  }
0xb: {  	s8 =	sor.u32 s9, s8;
	s10 =	sshrl.u32 s7, $0x1;
	[dreg:$0x7] =	wrdreg s31  }
0xc: {  	[dreg:$0x8] =	wrdreg s11;
	s11 =	simm.s32 $0x1;
	s9 =	sshll.u32 s8, $0x4  }
0xd: {  	s7 =	ssub.s32 s7, s10;
	s8 =	sshrl.u32 s8, $0x3;
	s10 =	simm.s32 $0x3D0C00  }
0xe: {  	s6 =	sadd.s32 s9, s6;
	s5 =	sadd.s32 s5, s8;
	s7 =	smax.u32 s7, $0x1  }
0xf: {  	v0 =	vimm.s32 $0xFFFFFFFF;
	v1 =	vimm.s32 $0x0;
	s8 =	simm.s32 $0x3;
	s9 =	simm.s32 $0x400;
	s6 =	sadd.s32 $0x400, s6  }
.LBB2_1:
0x10: {  	[tilespmem:s4], [sflag:$0x3] =	stream.linear.gather [hbm4b:s5+s4], $0x200, $0x38;
	[tilespmem:$0x18280] =	vst v63  }
0x11: {  	p1 =	por $0x1, $0x1;
	_ =	swait.ge [sflag:s8], $0x200  }
0x12: {  	p0 =	por p1, p1;
	[sflag:s8] =	ssyncset.done $0x0  }
0x13: {  	s16 =	simm.s32 @!p0 $0x1;
	[sflag:s8] =	ssyncadd.s32 $0xFFFFFE00  }
0x14: {  	_ =	swait.ge @!p0 [sflag:s16], $0x2000  }
0x15: {  	[sflag:s16] =	ssyncset.done @!p0 $0x0  }
0x16: {  	[sflag:s16] =	ssyncadd.s32 @!p0 $0xFFFFE000  }
0x17: {  	_ =	swait.ge @!p0 [sflag:s16], $0x2000  }
0x18: {  	[sflag:s16] =	ssyncset.done @!p0 $0x0  }
0x19: {  	s15 =	simm.s32 $0xFFFFFFFE;
	[sflag:s16] =	ssyncadd.s32 @!p0 $0xFFFFE000  }
0x1a: {  	v2 =	vld @!p0 [tilespmem:s15+$0xFFFFFFFE];
	_ =	sdelay $0x4  }
0x1b: {  	v3 =	vimm.s32 @!p0 $0xFFFFFFFF;
	vm0 =	vgt.s32 @!p0 v2, $0x7A120  }
0x1c: {  	v4 =	vsel @!p0 vm0, $0xFFF85EDF, v3  }
0x1d: {  	v4 =	vadd.s32 @!p0 v2, v4  }
0x1e: {  	vm0 =	vgt.s32 @!p0 v4, $0x0  }
0x1f: {  	v4 =	vnsel @!p0 vm0, $0x0, v4  }
0x20: {  	v4 =	vmin.u32 @!p0 v4, $0x7A11F  }
0x21: {  	v5 =	vlaneseq.u32 @!p1;
	v4 =	vand.u32 @!p0 $0x7F, v4  }
0x22: {  	v5 =	vmul.u32 @!p0 $0x80, v5;
	v6 =	vbroadcast @!p0 v4, $0x0;
	_ =	sdelay $0x1  }
0x23: {  	v7 =	vor.u32 @!p0 v5, v6;
	_ =	sdelay $0x3  }
0x24: {  	s17 =	simm.s32 @!p0 $0x280  }
0x25: {  	v7 =	vld.idx.msk @!p0 [tilespmem:v7+s17+$0x0], $0xffff  }
0x26: {  	v8 =	vimm.f32 @!p0 $1.000000000e+00;
	vm0 =	veq.s32 @!p0 v2, $0x0  }
0x27: {  	v9 =	vor.u32 @!p0 $0x800, v5;
	v2 =	vsel @!p0 vm0, $0x0, v8  }
0x28: {  	v10 =	vbroadcast @!p0 v2, $0x0;
	v11 =	vor.u32 @!p0 v9, v6;
	_ =	sdelay $0x1  }
0x29: {  	v7 =	vmul.f32 @!p0 v10, v7  }
0x2a: {  	s16 =	simm.s32 $0x8180  }
0x2b: {  	[tilespmem:s16+$0xFFFFFF00] =	vst @!p0 v7  }
0x2c: {  	v7 =	vld.idx.msk @!p0 [tilespmem:v11+s17+$0x0], $0xffff;
	_ =	sdelay $0x1  }
0x2d: {  	v11 =	vor.u32 @!p0 $0x1000, v5  }
0x2e: {  	v12 =	vor.u32 @!p0 v11, v6;
	_ =	sdelay $0x1  }
0x2f: {  	v7 =	vmul.f32 @!p0 v10, v7;
	_ =	sdelay $0x1  }
0x30: {  	[tilespmem:s16+$0xFFFFFF10] =	vst @!p0 v7  }
0x31: {  	v7 =	vld.idx.msk @!p0 [tilespmem:v12+s17+$0x0], $0xffff;
	_ =	sdelay $0x1  }
0x32: {  	v12 =	vor.u32 @!p0 $0x1800, v5  }
0x33: {  	v6 =	vor.u32 @!p0 v12, v6;
	_ =	sdelay $0x1  }
0x34: {  	v7 =	vmul.f32 @!p0 v7, v10;
	_ =	sdelay $0x1  }
0x35: {  	[tilespmem:s16+$0xFFFFFF20] =	vst @!p0 v7  }
0x36: {  	v6 =	vld.idx.msk @!p0 [tilespmem:v6+s17+$0x0], $0xffff  }
0x37: {  	v4 =	vbroadcast @!p0 v4, $0x1;
	_ =	sdelay $0x1  }
0x38: {  	v7 =	vor.u32 @!p0 v5, v4;
	_ =	sdelay $0x1  }
0x39: {  	v6 =	vmul.f32 @!p0 v6, v10;
	_ =	sdelay $0x1  }
0x3a: {  	s17 =	simm.s32 @!p0 $0x2280;
	[tilespmem:s16+$0xFFFFFF30] =	vst @!p0 v6  }
0x3b: {  	v6 =	vld.idx.msk @!p0 [tilespmem:v7+s17+$0x0], $0xffff;
	_ =	sdelay $0x2  }
0x3c: {  	v2 =	vbroadcast @!p0 v2, $0x1;
	v7 =	vor.u32 @!p0 v9, v4;
	_ =	sdelay $0x1  }
0x3d: {  	v6 =	vmul.f32 @!p0 v6, v2;
	_ =	sdelay $0x1  }
0x3e: {  	[tilespmem:s16+$0xFFFFFF80] =	vst @!p0 v6  }
0x3f: {  	v6 =	vld.idx.msk @!p0 [tilespmem:v7+s17+$0x0], $0xffff;
	_ =	sdelay $0x2  }
0x40: {  	v7 =	vor.u32 @!p0 v11, v4;
	_ =	sdelay $0x1  }
0x41: {  	v6 =	vmul.f32 @!p0 v6, v2;
	_ =	sdelay $0x1  }
0x42: {  	[tilespmem:s16+$0xFFFFFF90] =	vst @!p0 v6  }
0x43: {  	v6 =	vld.idx.msk @!p0 [tilespmem:v7+s17+$0x0], $0xffff;
	_ =	sdelay $0x2  }
0x44: {  	v4 =	vor.u32 @!p0 v12, v4;
	_ =	sdelay $0x1  }
0x45: {  	v6 =	vmul.f32 @!p0 v6, v2;
	_ =	sdelay $0x1  }
0x46: {  	[tilespmem:s16+$0xFFFFFFA0] =	vst @!p0 v6  }
0x47: {  	v4 =	vld.idx.msk @!p0 [tilespmem:v4+s17+$0x0], $0xffff;
	_ =	sdelay $0x2  }
0x48: {  	p1 =	por $0x1, $0x1;
	s17 =	simm.s32 $0xFFFFFFFE  }
0x49: {  	s17 =	simm.s32 @!p1 $0xFD  }
0x4a: {  	s17 =	sshll.u32 s17, $0x1;
	v2 =	vmul.f32 @!p0 v4, v2  }
0x4b: {  	s17 =	sadd.s32 $0x4, s17  }
0x4c: {  	s17 =	sand.u32 $0x1FE, s17;
	[tilespmem:s16+$0xFFFFFFB0] =	vst @!p0 v2  }
0x4d: {  	v2 =	vld [tilespmem:s17+$0x0];
	_ =	sdelay $0x4  }
0x4e: {  	vm13 =	vgt.s32 v2, $0x7A120  }
0x4f: {  	v62 =	vsel vm13, $0xFFF85EDF, v0  }
0x50: {  	v2 =	vadd.s32 v2, v62  }
0x51: {  	v63 =	vsel vm13, $0x1, v1;
	vm1 =	vgt.s32 v2, $0x0  }
0x52: {  	(v2sf) =	vpush v63, $0x0;
	v2 =	vnsel vm1, $0x0, v2  }
0x53: {  	(v2sf) =	vpush v63, $0x1;
	v2 =	vmin.u32 v2, $0x7A11F  }
0x54: {  	v2 =	vand.u32 $0x7FF80, v2  }
0x55: {  	(v2sf) =	vpush v2, $0x0  }
0x56: {  	(v2sf) =	vpush v2, $0x1;
	_ =	sdelay $0xa  }
0x57: {  	s20 =	spop (v2sf)  }
0x58: {  	s19 =	rddreg [dreg:$0x5];
	s21 =	spop (v2sf)  }
0x59: {  	p1 =	seq.s32 s20, $0x0;
	s20 =	smov.u32 s3;
	p2 =	seq.s32 s21, $0x0  }
0x5a: {  	s20 =	smov.u32 @p1 s1;
	s21 =	smov.u32 s3;
	s22 =	spop (v2sf)  }
0x5b: {  	s21 =	smov.u32 @p2 s1;
	s17 =	sadd.s32 s20, s22;
	s23 =	spop (v2sf)  }
0x5c: {  	[tilespmem:s19], [sflag:$0x1] =	stream.strided.gather [hbm4b:s17+s9], $0x2000, s10, s9, $0x38;
	[tilespmem:$0x18280] =	vst v63  }
0x5d: {  	s18 =	rddreg [dreg:$0x6];
	s24 =	sadd.s32 s21, s23;
	s19 =	simm.s32 @!p0 $0x2  }
0x5e: {  	[tilespmem:s18], [sflag:$0x1] =	stream.strided.gather [hbm4b:s24+s9], $0x2000, s10, s9, $0x38;
	[tilespmem:$0x18280] =	vst v63  }
0x5f: {  	_ =	swait.ge @!p0 [sflag:s19], $0x2000  }
0x60: {  	[sflag:s19] =	ssyncset.done @!p0 $0x0  }
0x61: {  	[sflag:s19] =	ssyncadd.s32 @!p0 $0xFFFFE000  }
0x62: {  	_ =	swait.ge @!p0 [sflag:s19], $0x2000  }
0x63: {  	[sflag:s19] =	ssyncset.done @!p0 $0x0  }
0x64: {  	[sflag:s19] =	ssyncadd.s32 @!p0 $0xFFFFE000  }
0x65: {  	v2 =	vld @!p0 [tilespmem:s15+$0x0];
	_ =	sdelay $0x4  }
0x66: {  	vm0 =	vgt.s32 @!p0 v2, $0x7A120  }
0x67: {  	v3 =	vsel @!p0 vm0, $0xFFF85EDF, v3  }
0x68: {  	v3 =	vadd.s32 @!p0 v2, v3  }
0x69: {  	vm0 =	vgt.s32 @!p0 v3, $0x0  }
0x6a: {  	v3 =	vnsel @!p0 vm0, $0x0, v3  }
0x6b: {  	v3 =	vmin.u32 @!p0 v3, $0x7A11F  }
0x6c: {  	v3 =	vand.u32 @!p0 $0x7F, v3  }
0x6d: {  	v4 =	vbroadcast @!p0 v3, $0x0;
	_ =	sdelay $0x1  }
0x6e: {  	v6 =	vor.u32 @!p0 v5, v4;
	_ =	sdelay $0x3  }
0x6f: {  	s17 =	simm.s32 @!p0 $0x4280  }
0x70: {  	v6 =	vld.idx.msk @!p0 [tilespmem:v6+s17+$0x0], $0xffff  }
0x71: {  	vm0 =	veq.s32 @!p0 v2, $0x0  }
0x72: {  	v2 =	vsel @!p0 vm0, $0x0, v8  }
0x73: {  	v7 =	vbroadcast @!p0 v2, $0x0;
	v8 =	vor.u32 @!p0 v9, v4;
	_ =	sdelay $0x1  }
0x74: {  	v6 =	vmul.f32 @!p0 v7, v6;
	_ =	sdelay $0x1  }
0x75: {  	[tilespmem:s16+$0x0] =	vst @!p0 v6  }
0x76: {  	v6 =	vld.idx.msk @!p0 [tilespmem:v8+s17+$0x0], $0xffff;
	_ =	sdelay $0x2  }
0x77: {  	v8 =	vor.u32 @!p0 v11, v4;
	_ =	sdelay $0x1  }
0x78: {  	v6 =	vmul.f32 @!p0 v7, v6;
	_ =	sdelay $0x1  }
0x79: {  	[tilespmem:s16+$0x10] =	vst @!p0 v6  }
0x7a: {  	v6 =	vld.idx.msk @!p0 [tilespmem:v8+s17+$0x0], $0xffff;
	_ =	sdelay $0x2  }
0x7b: {  	v4 =	vor.u32 @!p0 v12, v4;
	_ =	sdelay $0x1  }
0x7c: {  	v6 =	vmul.f32 @!p0 v6, v7;
	_ =	sdelay $0x1  }
0x7d: {  	[tilespmem:s16+$0x20] =	vst @!p0 v6  }
0x7e: {  	v4 =	vld.idx.msk @!p0 [tilespmem:v4+s17+$0x0], $0xffff  }
0x7f: {  	v3 =	vbroadcast @!p0 v3, $0x1;
	_ =	sdelay $0x1  }
0x80: {  	v5 =	vor.u32 @!p0 v5, v3;
	_ =	sdelay $0x1  }
0x81: {  	v4 =	vmul.f32 @!p0 v4, v7;
	_ =	sdelay $0x1  }
0x82: {  	s17 =	simm.s32 @!p0 $0x6280;
	[tilespmem:s16+$0x30] =	vst @!p0 v4  }
0x83: {  	v4 =	vld.idx.msk @!p0 [tilespmem:v5+s17+$0x0], $0xffff;
	_ =	sdelay $0x2  }
0x84: {  	v2 =	vbroadcast @!p0 v2, $0x1;
	v5 =	vor.u32 @!p0 v9, v3;
	_ =	sdelay $0x1  }
0x85: {  	v4 =	vmul.f32 @!p0 v4, v2;
	_ =	sdelay $0x1  }
0x86: {  	[tilespmem:s16+$0x80] =	vst @!p0 v4  }
0x87: {  	v4 =	vld.idx.msk @!p0 [tilespmem:v5+s17+$0x0], $0xffff;
	_ =	sdelay $0x2  }
0x88: {  	v5 =	vor.u32 @!p0 v11, v3;
	_ =	sdelay $0x1  }
0x89: {  	v4 =	vmul.f32 @!p0 v4, v2;
	_ =	sdelay $0x1  }
0x8a: {  	[tilespmem:s16+$0x90] =	vst @!p0 v4  }
0x8b: {  	v4 =	vld.idx.msk @!p0 [tilespmem:v5+s17+$0x0], $0xffff;
	_ =	sdelay $0x2  }
0x8c: {  	v3 =	vor.u32 @!p0 v12, v3;
	_ =	sdelay $0x1  }
0x8d: {  	v4 =	vmul.f32 @!p0 v4, v2;
	_ =	sdelay $0x1  }
0x8e: {  	[tilespmem:s16+$0xA0] =	vst @!p0 v4  }
0x8f: {  	v3 =	vld.idx.msk @!p0 [tilespmem:v3+s17+$0x0], $0xffff;
	_ =	sdelay $0x2  }
0x90: {  	p1 =	por $0x1, $0x1  }
0x91: {  	s15 =	simm.s32 @!p1 $0xFC  }
0x92: {  	s15 =	sshll.u32 s15, $0x1;
	v2 =	vmul.f32 @!p0 v3, v2  }
0x93: {  	s15 =	sadd.s32 $0x6, s15  }
0x94: {  	s15 =	sand.u32 $0x1FE, s15;
	[tilespmem:s16+$0xB0] =	vst @!p0 v2  }
0x95: {  	v2 =	vld [tilespmem:s15+$0x0];
	_ =	sdelay $0x4  }
0x96: {  	vm14 =	vgt.s32 v2, $0x7A120  }
0x97: {  	v3 =	vsel vm14, $0xFFF85EDF, v0  }
0x98: {  	v2 =	vadd.s32 v2, v3  }
0x99: {  	vm15 =	vgt.s32 v2, $0x0  }
0x9a: {  	v3 =	vsel vm14, $0x1, v1;
	v2 =	vnsel vm15, $0x0, v2  }
0x9b: {  	(v2sf) =	vpush v3, $0x0;
	v2 =	vmin.u32 v2, $0x7A11F  }
0x9c: {  	(v2sf) =	vpush v3, $0x1;
	v2 =	vand.u32 $0x7FF80, v2  }
0x9d: {  	(v2sf) =	vpush v2, $0x0;
	_ =	sdelay $0x2  }
0x9e: {  	(v2sf) =	vpush v2, $0x1;
	_ =	sdelay $0x8  }
0x9f: {  	s20 =	smov.u32 s3;
	s28 =	rddreg [dreg:$0x7]  }
0xa0: {  	s18 =	simm.s32 $0x2;
	s19 =	rddreg [dreg:$0x8];
	s25 =	spop (v2sf)  }
0xa1: {  	p1 =	por $0x0, $0x0;
	p0 =	seq.s32 s25, $0x0;
	s26 =	spop (v2sf)  }
0xa2: {  	s17 =	simm.s32 $0x2;
	s20 =	smov.u32 @p0 s1;
	s29 =	spop (v2sf)  }
0xa3: {  	p2 =	seq.s32 s26, $0x0;
	s30 =	sadd.s32 s20, s29;
	s20 =	smov.u32 s3  }
0xa4: {  	[tilespmem:s28], [sflag:$0x2] =	stream.strided.gather [hbm4b:s30+s9], $0x2000, s10, s9, $0x38;
	[tilespmem:$0x18280] =	vst v63  }
0xa5: {  	s16 =	simm.s32 $0x8380;
	s31 =	spop (v2sf);
	s20 =	smov.u32 @p2 s1  }
0xa6: {  	s15 =	simm.s32 $0x0;
	v2 =	vlaneseq.u32 @!p1;
	p0 =	por p1, p1;
	s20 =	sadd.s32 s20, s31  }
.LBB2_2:
0xa7: {  	[tilespmem:s19], [sflag:$0x2] =	stream.strided.gather [hbm4b:s20+s9], $0x2000, s10, s9, $0x38;
	[tilespmem:$0x18280] =	vst v63  }
0xa8: {  	s20 =	simm.s32 @!p0 $0x1  }
0xa9: {  	_ =	swait.ge @!p0 [sflag:s20], $0x2000  }
0xaa: {  	[sflag:s20] =	ssyncset.done @!p0 $0x0  }
0xab: {  	[sflag:s20] =	ssyncadd.s32 @!p0 $0xFFFFE000  }
0xac: {  	_ =	swait.ge @!p0 [sflag:s20], $0x2000  }
0xad: {  	[sflag:s20] =	ssyncset.done @!p0 $0x0  }
0xae: {  	[sflag:s20] =	ssyncadd.s32 @!p0 $0xFFFFE000  }
0xaf: {  	v3 =	vld @!p0 [tilespmem:s17+$0xFFFFFFFE];
	_ =	sdelay $0x4  }
0xb0: {  	v8 =	vimm.s32 @!p0 $0xFFFFFFFF;
	vm0 =	vgt.s32 @!p0 v3, $0x7A120  }
0xb1: {  	v5 =	vsel @!p0 vm0, $0xFFF85EDF, v8  }
0xb2: {  	vm1 =	veq.s32 @!p0 v3, $0x0;
	v3 =	vadd.s32 @!p0 v3, v5  }
0xb3: {  	vm0 =	vgt.s32 @!p0 v3, $0x0  }
0xb4: {  	v3 =	vnsel @!p0 vm0, $0x0, v3  }
0xb5: {  	v3 =	vmin.u32 @!p0 v3, $0x7A11F  }
0xb6: {  	s28 =	smov.u32 s18;
	v5 =	vand.u32 @!p0 $0x7F, v3  }
0xb7: {  	p2 =	seq.s32 s28, $0xFFFFFFFE;
	v3 =	vmul.u32 @!p0 $0x80, v2;
	v10 =	vbroadcast @!p0 v5, $0x0  }
0xb8: {  	v4 =	vlaneseq.u32 @!p2  }
0xb9: {  	v2 =	vmov v4;
	v4 =	vor.u32 @!p0 v3, v10;
	_ =	sdelay $0x3  }
0xba: {  	s20 =	simm.s32 @!p0 $0x280  }
0xbb: {  	v11 =	vbroadcast @!p0 v5, $0x1;
	v5 =	vld.idx.msk @!p0 [tilespmem:v4+s20+$0x0], $0xffff  }
0xbc: {  	v7 =	vimm.f32 @!p0 $1.000000000e+00  }
0xbd: {  	v9 =	vsel @!p0 vm1, $0x0, v7;
	v4 =	vor.u32 @!p0 $0x800, v3  }
0xbe: {  	v12 =	vbroadcast @!p0 v9, $0x0;
	v6 =	vor.u32 @!p0 v4, v10;
	_ =	sdelay $0x1  }
0xbf: {  	v5 =	vmul.f32 @!p0 v12, v5;
	_ =	sdelay $0x1  }
0xc0: {  	[tilespmem:s16+$0xFFFFFF00] =	vst @!p0 v5  }
0xc1: {  	v6 =	vld.idx.msk @!p0 [tilespmem:v6+s20+$0x0], $0xffff;
	_ =	sdelay $0x1  }
0xc2: {  	v5 =	vor.u32 @!p0 $0x1000, v3  }
0xc3: {  	v13 =	vor.u32 @!p0 v5, v10;
	_ =	sdelay $0x1  }
0xc4: {  	v6 =	vmul.f32 @!p0 v12, v6;
	_ =	sdelay $0x1  }
0xc5: {  	[tilespmem:s16+$0xFFFFFF10] =	vst @!p0 v6  }
0xc6: {  	v13 =	vld.idx.msk @!p0 [tilespmem:v13+s20+$0x0], $0xffff;
	_ =	sdelay $0x1  }
0xc7: {  	v6 =	vor.u32 @!p0 $0x1800, v3  }
0xc8: {  	v10 =	vor.u32 @!p0 v6, v10;
	_ =	sdelay $0x1  }
0xc9: {  	v13 =	vmul.f32 @!p0 v13, v12;
	_ =	sdelay $0x1  }
0xca: {  	[tilespmem:s16+$0xFFFFFF20] =	vst @!p0 v13  }
0xcb: {  	v10 =	vld.idx.msk @!p0 [tilespmem:v10+s20+$0x0], $0xffff;
	_ =	sdelay $0x2  }
0xcc: {  	v13 =	vor.u32 @!p0 v3, v11;
	_ =	sdelay $0x1  }
0xcd: {  	v10 =	vmul.f32 @!p0 v10, v12;
	_ =	sdelay $0x1  }
0xce: {  	s20 =	simm.s32 @!p0 $0x2280;
	[tilespmem:s16+$0xFFFFFF30] =	vst @!p0 v10  }
0xcf: {  	v10 =	vld.idx.msk @!p0 [tilespmem:v13+s20+$0x0], $0xffff;
	_ =	sdelay $0x2  }
0xd0: {  	v9 =	vbroadcast @!p0 v9, $0x1;
	v12 =	vor.u32 @!p0 v4, v11;
	_ =	sdelay $0x1  }
0xd1: {  	v10 =	vmul.f32 @!p0 v10, v9;
	_ =	sdelay $0x1  }
0xd2: {  	[tilespmem:s16+$0xFFFFFF80] =	vst @!p0 v10  }
0xd3: {  	v10 =	vld.idx.msk @!p0 [tilespmem:v12+s20+$0x0], $0xffff;
	_ =	sdelay $0x2  }
0xd4: {  	v12 =	vor.u32 @!p0 v5, v11;
	_ =	sdelay $0x1  }
0xd5: {  	v10 =	vmul.f32 @!p0 v10, v9;
	_ =	sdelay $0x1  }
0xd6: {  	[tilespmem:s16+$0xFFFFFF90] =	vst @!p0 v10  }
0xd7: {  	v10 =	vld.idx.msk @!p0 [tilespmem:v12+s20+$0x0], $0xffff;
	_ =	sdelay $0x2  }
0xd8: {  	v11 =	vor.u32 @!p0 v6, v11;
	_ =	sdelay $0x1  }
0xd9: {  	v10 =	vmul.f32 @!p0 v10, v9;
	_ =	sdelay $0x1  }
0xda: {  	[tilespmem:s16+$0xFFFFFFA0] =	vst @!p0 v10  }
0xdb: {  	v10 =	vld.idx.msk @!p0 [tilespmem:v11+s20+$0x0], $0xffff;
	_ =	sdelay $0x2  }
0xdc: {  	p3 =	slt.s32 s15, $0xFD;
	s20 =	smov.u32 s15  }
0xdd: {  	s20 =	simm.s32 @!p3 $0xFD  }
0xde: {  	s20 =	sshll.u32 s20, $0x1;
	v9 =	vmul.f32 @!p0 v10, v9  }
0xdf: {  	s20 =	sadd.s32 $0x4, s20  }
0xe0: {  	s20 =	sand.u32 $0x1FE, s20;
	[tilespmem:s16+$0xFFFFFFB0] =	vst @!p0 v9  }
0xe1: {  	v9 =	vld [tilespmem:s20+$0x0];
	_ =	sdelay $0x4  }
0xe2: {  	vm12 =	vgt.s32 v9, $0x7A120  }
0xe3: {  	v60 =	vsel vm12, $0xFFF85EDF, v0  }
0xe4: {  	v9 =	vadd.s32 v9, v60  }
0xe5: {  	vm13 =	vgt.s32 v9, $0x0  }
0xe6: {  	v61 =	vsel vm12, $0x1, v1;
	v9 =	vnsel vm13, $0x0, v9  }
0xe7: {  	(v2sf) =	vpush v61, $0x0;
	v9 =	vmin.u32 v9, $0x7A11F  }
0xe8: {  	(v2sf) =	vpush v61, $0x1;
	v9 =	vand.u32 $0x7FF80, v9  }
0xe9: {  	(v2sf) =	vpush v9, $0x0;
	_ =	sdelay $0x1  }
0xea: {  	(v2sf) =	vpush v9, $0x1;
	_ =	sdelay $0xa  }
0xeb: {  	s29 =	spop (v2sf)  }
0xec: {  	s22 =	smov.u32 s3;
	p3 =	seq.s32 s29, $0x0;
	s30 =	spop (v2sf)  }
0xed: {  	s22 =	smov.u32 @p3 s1;
	s23 =	spop (v2sf)  }
0xee: {  	p4 =	seq.s32 s30, $0x0;
	s22 =	sadd.s32 s22, s23;
	s23 =	smov.u32 s3  }
0xef: {  	s21 =	rddreg [dreg:$0x5];
	s24 =	spop (v2sf);
	s23 =	smov.u32 @p4 s1  }
0xf0: {  	[tilespmem:s21], [sflag:$0x1] =	stream.strided.gather [hbm4b:s22+s9], $0x2000, s10, s9, $0x38;
	[tilespmem:$0x18280] =	vst v63  }
0xf1: {  	s31 =	rddreg [dreg:$0x6];
	s22 =	simm.s32 @!p0 $0x2;
	s24 =	sadd.s32 s23, s24  }
0xf2: {  	[tilespmem:s31], [sflag:$0x1] =	stream.strided.gather [hbm4b:s24+s9], $0x2000, s10, s9, $0x38;
	[tilespmem:$0x18280] =	vst v63  }
0xf3: {  	_ =	swait.ge @!p0 [sflag:s22], $0x2000  }
0xf4: {  	[sflag:s22] =	ssyncset.done @!p0 $0x0  }
0xf5: {  	[sflag:s22] =	ssyncadd.s32 @!p0 $0xFFFFE000  }
0xf6: {  	_ =	swait.ge @!p0 [sflag:s22], $0x2000  }
0xf7: {  	[sflag:s22] =	ssyncset.done @!p0 $0x0  }
0xf8: {  	[sflag:s22] =	ssyncadd.s32 @!p0 $0xFFFFE000  }
0xf9: {  	v9 =	vld @!p0 [tilespmem:s17+$0x0];
	_ =	sdelay $0x4  }
0xfa: {  	vm0 =	vgt.s32 @!p0 v9, $0x7A120  }
0xfb: {  	v8 =	vsel @!p0 vm0, $0xFFF85EDF, v8  }
0xfc: {  	v8 =	vadd.s32 @!p0 v9, v8  }
0xfd: {  	vm0 =	vgt.s32 @!p0 v8, $0x0  }
0xfe: {  	v8 =	vnsel @!p0 vm0, $0x0, v8  }
0xff: {  	v8 =	vmin.u32 @!p0 v8, $0x7A11F  }
0x100: {  	v8 =	vand.u32 @!p0 $0x7F, v8  }
0x101: {  	vm1 =	veq.s32 @!p0 v9, $0x0;
	v9 =	vbroadcast @!p0 v8, $0x0;
	_ =	sdelay $0x1  }
0x102: {  	v10 =	vor.u32 @!p0 v3, v9;
	_ =	sdelay $0x3  }
0x103: {  	s20 =	simm.s32 @!p0 $0x4280  }
0x104: {  	v10 =	vld.idx.msk @!p0 [tilespmem:v10+s20+$0x0], $0xffff;
	_ =	sdelay $0x1  }
0x105: {  	v7 =	vsel @!p0 vm1, $0x0, v7  }
0x106: {  	v11 =	vbroadcast @!p0 v7, $0x0;
	v12 =	vor.u32 @!p0 v4, v9;
	_ =	sdelay $0x1  }
0x107: {  	v10 =	vmul.f32 @!p0 v11, v10;
	_ =	sdelay $0x1  }
0x108: {  	[tilespmem:s16+$0x0] =	vst @!p0 v10  }
0x109: {  	v10 =	vld.idx.msk @!p0 [tilespmem:v12+s20+$0x0], $0xffff;
	_ =	sdelay $0x2  }
0x10a: {  	v12 =	vor.u32 @!p0 v5, v9;
	_ =	sdelay $0x1  }
0x10b: {  	v10 =	vmul.f32 @!p0 v11, v10;
	_ =	sdelay $0x1  }
0x10c: {  	[tilespmem:s16+$0x10] =	vst @!p0 v10  }
0x10d: {  	v10 =	vld.idx.msk @!p0 [tilespmem:v12+s20+$0x0], $0xffff;
	_ =	sdelay $0x2  }
0x10e: {  	v9 =	vor.u32 @!p0 v6, v9;
	_ =	sdelay $0x1  }
0x10f: {  	v10 =	vmul.f32 @!p0 v10, v11;
	_ =	sdelay $0x1  }
0x110: {  	[tilespmem:s16+$0x20] =	vst @!p0 v10  }
0x111: {  	v9 =	vld.idx.msk @!p0 [tilespmem:v9+s20+$0x0], $0xffff  }
0x112: {  	v8 =	vbroadcast @!p0 v8, $0x1;
	_ =	sdelay $0x1  }
0x113: {  	v3 =	vor.u32 @!p0 v3, v8;
	_ =	sdelay $0x1  }
0x114: {  	v9 =	vmul.f32 @!p0 v9, v11;
	_ =	sdelay $0x1  }
0x115: {  	s20 =	simm.s32 @!p0 $0x6280;
	[tilespmem:s16+$0x30] =	vst @!p0 v9  }
0x116: {  	v3 =	vld.idx.msk @!p0 [tilespmem:v3+s20+$0x0], $0xffff;
	_ =	sdelay $0x2  }
0x117: {  	v7 =	vbroadcast @!p0 v7, $0x1;
	v4 =	vor.u32 @!p0 v4, v8;
	_ =	sdelay $0x1  }
0x118: {  	v3 =	vmul.f32 @!p0 v3, v7;
	_ =	sdelay $0x1  }
0x119: {  	[tilespmem:s16+$0x80] =	vst @!p0 v3  }
0x11a: {  	v3 =	vld.idx.msk @!p0 [tilespmem:v4+s20+$0x0], $0xffff;
	_ =	sdelay $0x2  }
0x11b: {  	v4 =	vor.u32 @!p0 v5, v8;
	_ =	sdelay $0x1  }
0x11c: {  	v3 =	vmul.f32 @!p0 v3, v7;
	_ =	sdelay $0x1  }
0x11d: {  	[tilespmem:s16+$0x90] =	vst @!p0 v3  }
0x11e: {  	v3 =	vld.idx.msk @!p0 [tilespmem:v4+s20+$0x0], $0xffff;
	_ =	sdelay $0x2  }
0x11f: {  	v4 =	vor.u32 @!p0 v6, v8;
	_ =	sdelay $0x1  }
0x120: {  	v3 =	vmul.f32 @!p0 v3, v7;
	_ =	sdelay $0x1  }
0x121: {  	[tilespmem:s16+$0xA0] =	vst @!p0 v3  }
0x122: {  	v3 =	vld.idx.msk @!p0 [tilespmem:v4+s20+$0x0], $0xffff;
	_ =	sdelay $0x2  }
0x123: {  	p3 =	slt.s32 s15, $0xFC;
	s20 =	smov.u32 s15  }
0x124: {  	s20 =	simm.s32 @!p3 $0xFC  }
0x125: {  	s25 =	sshll.u32 s20, $0x1;
	v3 =	vmul.f32 @!p0 v3, v7  }
0x126: {  	s19 =	sadd.s32 $0x6, s25  }
0x127: {  	s19 =	sand.u32 $0x1FE, s19;
	[tilespmem:s16+$0xB0] =	vst @!p0 v3  }
0x128: {  	v3 =	vld [tilespmem:s19+$0x0];
	_ =	sdelay $0x4  }
0x129: {  	vm14 =	vgt.s32 v3, $0x7A120  }
0x12a: {  	v62 =	vsel vm14, $0xFFF85EDF, v0  }
0x12b: {  	v3 =	vadd.s32 v3, v62  }
0x12c: {  	vm15 =	vgt.s32 v3, $0x0  }
0x12d: {  	v63 =	vsel vm14, $0x1, v1;
	v3 =	vnsel vm15, $0x0, v3  }
0x12e: {  	(v2sf) =	vpush v63, $0x0;
	v3 =	vmin.u32 v3, $0x7A11F  }
0x12f: {  	(v2sf) =	vpush v63, $0x1;
	v3 =	vand.u32 $0x7FF80, v3  }
0x130: {  	(v2sf) =	vpush v3, $0x0  }
0x131: {  	(v2sf) =	vpush v3, $0x1;
	_ =	sdelay $0x8  }
0x132: {  	s18 =	sadd.s32 $0x2, s18  }
0x133: {  	p1 =	sne.s32 s18, $0x100;
	s21 =	smov.u32 s3  }
0x134: {  	s29 =	rddreg [dreg:$0x7];
	s22 =	smov.u32 s3;
	s17 =	sadd.s32 $0x4, s17  }
0x135: {  	s15 =	smov.u32 s28;
	p0 =	por p2, p2;
	s26 =	spop (v2sf)  }
.Ltmp0:
0x136: {  	p2 =	seq.s32 s26, $0x0;
	s28 =	spop (v2sf);
	(pc) =	sbr.rel @p1 .LBB2_2-.Ltmp0, $4  }
0x137: {  	p3 =	seq.s32 s28, $0x0;
	s21 =	smov.u32 @p2 s1;
	s30 =	spop (v2sf)  }
0x138: {  	s22 =	smov.u32 @p3 s1;
	s21 =	sadd.s32 s21, s30;
	s31 =	spop (v2sf)  }
0x139: {  	[tilespmem:s29], [sflag:$0x2] =	stream.strided.gather [hbm4b:s21+s9], $0x2000, s10, s9, $0x38;
	[tilespmem:$0x18280] =	vst v63  }
0x13a: {  	s16 =	sadd.s32 $0x200, s16;
	s19 =	rddreg [dreg:$0x8];
	s20 =	sadd.s32 s22, s31  }
0x13b: {  	[tilespmem:s19], [sflag:$0x2] =	stream.strided.gather [hbm4b:s20+s9], $0x2000, s10, s9, $0x38;
	[tilespmem:$0x18280] =	vst v63  }
0x13c: {  	s18 =	simm.s32 @!p0 $0x1  }
0x13d: {  	_ =	swait.ge @!p0 [sflag:s18], $0x2000  }
0x13e: {  	[sflag:s18] =	ssyncset.done @!p0 $0x0  }
0x13f: {  	[sflag:s18] =	ssyncadd.s32 @!p0 $0xFFFFE000  }
0x140: {  	_ =	swait.ge @!p0 [sflag:s18], $0x2000  }
0x141: {  	[sflag:s18] =	ssyncset.done @!p0 $0x0  }
0x142: {  	[sflag:s18] =	ssyncadd.s32 @!p0 $0xFFFFE000  }
0x143: {  	v3 =	vld @!p0 [tilespmem:s17+$0xFFFFFFFE];
	_ =	sdelay $0x4  }
0x144: {  	v4 =	vimm.s32 @!p0 $0xFFFFFFFF;
	vm0 =	vgt.s32 @!p0 v3, $0x7A120  }
0x145: {  	v5 =	vsel @!p0 vm0, $0xFFF85EDF, v4  }
0x146: {  	v5 =	vadd.s32 @!p0 v3, v5  }
0x147: {  	vm0 =	vgt.s32 @!p0 v5, $0x0  }
0x148: {  	v5 =	vnsel @!p0 vm0, $0x0, v5  }
0x149: {  	v5 =	vmin.u32 @!p0 v5, $0x7A11F  }
0x14a: {  	v5 =	vand.u32 @!p0 $0x7F, v5  }
0x14b: {  	v2 =	vmul.u32 @!p0 $0x80, v2;
	v6 =	vbroadcast @!p0 v5, $0x0;
	_ =	sdelay $0x1  }
0x14c: {  	v7 =	vor.u32 @!p0 v2, v6;
	_ =	sdelay $0x3  }
0x14d: {  	s18 =	simm.s32 @!p0 $0x280  }
0x14e: {  	v7 =	vld.idx.msk @!p0 [tilespmem:v7+s18+$0x0], $0xffff  }
0x14f: {  	v8 =	vimm.f32 @!p0 $1.000000000e+00;
	vm0 =	veq.s32 @!p0 v3, $0x0  }
0x150: {  	v9 =	vor.u32 @!p0 $0x800, v2;
	v3 =	vsel @!p0 vm0, $0x0, v8  }
0x151: {  	v10 =	vbroadcast @!p0 v3, $0x0;
	v11 =	vor.u32 @!p0 v9, v6;
	_ =	sdelay $0x1  }
0x152: {  	v7 =	vmul.f32 @!p0 v10, v7;
	_ =	sdelay $0x1  }
0x153: {  	[tilespmem:s16+$0xFFFFFF00] =	vst @!p0 v7  }
0x154: {  	v7 =	vld.idx.msk @!p0 [tilespmem:v11+s18+$0x0], $0xffff;
	_ =	sdelay $0x1  }
0x155: {  	v11 =	vor.u32 @!p0 $0x1000, v2  }
0x156: {  	v12 =	vor.u32 @!p0 v11, v6;
	_ =	sdelay $0x1  }
0x157: {  	v7 =	vmul.f32 @!p0 v10, v7;
	_ =	sdelay $0x1  }
0x158: {  	[tilespmem:s16+$0xFFFFFF10] =	vst @!p0 v7  }
0x159: {  	v7 =	vld.idx.msk @!p0 [tilespmem:v12+s18+$0x0], $0xffff;
	_ =	sdelay $0x1  }
0x15a: {  	v12 =	vor.u32 @!p0 $0x1800, v2  }
0x15b: {  	v6 =	vor.u32 @!p0 v12, v6;
	_ =	sdelay $0x1  }
0x15c: {  	v7 =	vmul.f32 @!p0 v7, v10;
	_ =	sdelay $0x1  }
0x15d: {  	[tilespmem:s16+$0xFFFFFF20] =	vst @!p0 v7  }
0x15e: {  	v6 =	vld.idx.msk @!p0 [tilespmem:v6+s18+$0x0], $0xffff  }
0x15f: {  	v5 =	vbroadcast @!p0 v5, $0x1;
	_ =	sdelay $0x1  }
0x160: {  	v7 =	vor.u32 @!p0 v2, v5;
	_ =	sdelay $0x1  }
0x161: {  	v6 =	vmul.f32 @!p0 v6, v10;
	_ =	sdelay $0x1  }
0x162: {  	s18 =	simm.s32 @!p0 $0x2280;
	[tilespmem:s16+$0xFFFFFF30] =	vst @!p0 v6  }
0x163: {  	v6 =	vld.idx.msk @!p0 [tilespmem:v7+s18+$0x0], $0xffff;
	_ =	sdelay $0x2  }
0x164: {  	v3 =	vbroadcast @!p0 v3, $0x1;
	v7 =	vor.u32 @!p0 v9, v5;
	_ =	sdelay $0x1  }
0x165: {  	v6 =	vmul.f32 @!p0 v6, v3;
	_ =	sdelay $0x1  }
0x166: {  	[tilespmem:s16+$0xFFFFFF80] =	vst @!p0 v6  }
0x167: {  	v6 =	vld.idx.msk @!p0 [tilespmem:v7+s18+$0x0], $0xffff;
	_ =	sdelay $0x2  }
0x168: {  	v7 =	vor.u32 @!p0 v11, v5;
	_ =	sdelay $0x1  }
0x169: {  	v6 =	vmul.f32 @!p0 v6, v3;
	_ =	sdelay $0x1  }
0x16a: {  	[tilespmem:s16+$0xFFFFFF90] =	vst @!p0 v6  }
0x16b: {  	v6 =	vld.idx.msk @!p0 [tilespmem:v7+s18+$0x0], $0xffff;
	_ =	sdelay $0x2  }
0x16c: {  	v5 =	vor.u32 @!p0 v12, v5;
	_ =	sdelay $0x1  }
0x16d: {  	v6 =	vmul.f32 @!p0 v6, v3;
	_ =	sdelay $0x1  }
0x16e: {  	[tilespmem:s16+$0xFFFFFFA0] =	vst @!p0 v6  }
0x16f: {  	v5 =	vld.idx.msk @!p0 [tilespmem:v5+s18+$0x0], $0xffff;
	_ =	sdelay $0x2  }
0x170: {  	p1 =	slt.s32 s15, $0xFD;
	s18 =	smov.u32 s15  }
0x171: {  	s18 =	simm.s32 @!p1 $0xFD  }
0x172: {  	s18 =	sshll.u32 s18, $0x1;
	v3 =	vmul.f32 @!p0 v5, v3  }
0x173: {  	s18 =	sadd.s32 $0x4, s18  }
0x174: {  	s18 =	sand.u32 $0x1FE, s18;
	[tilespmem:s16+$0xFFFFFFB0] =	vst @!p0 v3  }
0x175: {  	v3 =	vld [tilespmem:s18+$0x0];
	_ =	sdelay $0x4  }
0x176: {  	vm13 =	vgt.s32 v3, $0x7A120  }
0x177: {  	v62 =	vsel vm13, $0xFFF85EDF, v0  }
0x178: {  	v3 =	vadd.s32 v3, v62  }
0x179: {  	vm1 =	vgt.s32 v3, $0x0  }
0x17a: {  	v63 =	vsel vm13, $0x1, v1;
	v3 =	vnsel vm1, $0x0, v3  }
0x17b: {  	(v2sf) =	vpush v63, $0x0;
	v3 =	vmin.u32 v3, $0x7A11F  }
0x17c: {  	(v2sf) =	vpush v63, $0x1;
	v3 =	vand.u32 $0x7FF80, v3  }
0x17d: {  	(v2sf) =	vpush v3, $0x0  }
0x17e: {  	(v2sf) =	vpush v3, $0x1;
	_ =	sdelay $0xb  }
0x17f: {  	s21 =	smov.u32 s3;
	s22 =	smov.u32 s3;
	s25 =	spop (v2sf)  }
0x180: {  	s29 =	rddreg [dreg:$0x5];
	p1 =	seq.s32 s25, $0x0;
	s28 =	spop (v2sf)  }
0x181: {  	p2 =	seq.s32 s28, $0x0;
	s21 =	smov.u32 @p1 s1;
	s30 =	spop (v2sf)  }
0x182: {  	s22 =	smov.u32 @p2 s1;
	s18 =	sadd.s32 s21, s30;
	s31 =	spop (v2sf)  }
0x183: {  	[tilespmem:s29], [sflag:$0x1] =	stream.strided.gather [hbm4b:s18+s9], $0x2000, s10, s9, $0x38;
	[tilespmem:$0x18280] =	vst v63  }
0x184: {  	s20 =	simm.s32 @!p0 $0x2;
	s26 =	rddreg [dreg:$0x6];
	s23 =	sadd.s32 s22, s31  }
0x185: {  	[tilespmem:s26], [sflag:$0x1] =	stream.strided.gather [hbm4b:s23+s9], $0x2000, s10, s9, $0x38;
	[tilespmem:$0x18280] =	vst v63  }
0x186: {  	_ =	swait.ge @!p0 [sflag:s20], $0x2000  }
0x187: {  	[sflag:s20] =	ssyncset.done @!p0 $0x0  }
0x188: {  	[sflag:s20] =	ssyncadd.s32 @!p0 $0xFFFFE000  }
0x189: {  	_ =	swait.ge @!p0 [sflag:s20], $0x2000  }
0x18a: {  	[sflag:s20] =	ssyncset.done @!p0 $0x0  }
0x18b: {  	[sflag:s20] =	ssyncadd.s32 @!p0 $0xFFFFE000  }
0x18c: {  	v3 =	vld @!p0 [tilespmem:s17+$0x0];
	_ =	sdelay $0x4  }
0x18d: {  	vm0 =	vgt.s32 @!p0 v3, $0x7A120  }
0x18e: {  	v4 =	vsel @!p0 vm0, $0xFFF85EDF, v4  }
0x18f: {  	v4 =	vadd.s32 @!p0 v3, v4  }
0x190: {  	vm0 =	vgt.s32 @!p0 v4, $0x0  }
0x191: {  	v4 =	vnsel @!p0 vm0, $0x0, v4  }
0x192: {  	v4 =	vmin.u32 @!p0 v4, $0x7A11F  }
0x193: {  	v4 =	vand.u32 @!p0 $0x7F, v4  }
0x194: {  	v5 =	vbroadcast @!p0 v4, $0x0;
	_ =	sdelay $0x1  }
0x195: {  	v6 =	vor.u32 @!p0 v2, v5;
	_ =	sdelay $0x3  }
0x196: {  	s17 =	simm.s32 @!p0 $0x4280  }
0x197: {  	v6 =	vld.idx.msk @!p0 [tilespmem:v6+s17+$0x0], $0xffff  }
0x198: {  	vm0 =	veq.s32 @!p0 v3, $0x0  }
0x199: {  	v3 =	vsel @!p0 vm0, $0x0, v8  }
0x19a: {  	v7 =	vbroadcast @!p0 v3, $0x0;
	v8 =	vor.u32 @!p0 v9, v5;
	_ =	sdelay $0x1  }
0x19b: {  	v6 =	vmul.f32 @!p0 v7, v6;
	_ =	sdelay $0x1  }
0x19c: {  	[tilespmem:s16+$0x0] =	vst @!p0 v6  }
0x19d: {  	v6 =	vld.idx.msk @!p0 [tilespmem:v8+s17+$0x0], $0xffff;
	_ =	sdelay $0x2  }
0x19e: {  	v8 =	vor.u32 @!p0 v11, v5;
	_ =	sdelay $0x1  }
0x19f: {  	v6 =	vmul.f32 @!p0 v7, v6;
	_ =	sdelay $0x1  }
0x1a0: {  	[tilespmem:s16+$0x10] =	vst @!p0 v6  }
0x1a1: {  	v6 =	vld.idx.msk @!p0 [tilespmem:v8+s17+$0x0], $0xffff;
	_ =	sdelay $0x2  }
0x1a2: {  	v5 =	vor.u32 @!p0 v12, v5;
	_ =	sdelay $0x1  }
0x1a3: {  	v6 =	vmul.f32 @!p0 v6, v7;
	_ =	sdelay $0x1  }
0x1a4: {  	[tilespmem:s16+$0x20] =	vst @!p0 v6  }
0x1a5: {  	v5 =	vld.idx.msk @!p0 [tilespmem:v5+s17+$0x0], $0xffff  }
0x1a6: {  	v4 =	vbroadcast @!p0 v4, $0x1;
	_ =	sdelay $0x1  }
0x1a7: {  	v2 =	vor.u32 @!p0 v2, v4;
	_ =	sdelay $0x1  }
0x1a8: {  	v5 =	vmul.f32 @!p0 v5, v7;
	_ =	sdelay $0x1  }
0x1a9: {  	s17 =	simm.s32 @!p0 $0x6280;
	[tilespmem:s16+$0x30] =	vst @!p0 v5  }
0x1aa: {  	v2 =	vld.idx.msk @!p0 [tilespmem:v2+s17+$0x0], $0xffff;
	_ =	sdelay $0x2  }
0x1ab: {  	v3 =	vbroadcast @!p0 v3, $0x1;
	v5 =	vor.u32 @!p0 v9, v4;
	_ =	sdelay $0x1  }
0x1ac: {  	v2 =	vmul.f32 @!p0 v2, v3;
	_ =	sdelay $0x1  }
0x1ad: {  	[tilespmem:s16+$0x80] =	vst @!p0 v2  }
0x1ae: {  	v2 =	vld.idx.msk @!p0 [tilespmem:v5+s17+$0x0], $0xffff;
	_ =	sdelay $0x2  }
0x1af: {  	v5 =	vor.u32 @!p0 v11, v4;
	_ =	sdelay $0x1  }
0x1b0: {  	v2 =	vmul.f32 @!p0 v2, v3;
	_ =	sdelay $0x1  }
0x1b1: {  	[tilespmem:s16+$0x90] =	vst @!p0 v2  }
0x1b2: {  	v2 =	vld.idx.msk @!p0 [tilespmem:v5+s17+$0x0], $0xffff;
	_ =	sdelay $0x2  }
0x1b3: {  	v4 =	vor.u32 @!p0 v12, v4;
	_ =	sdelay $0x1  }
0x1b4: {  	v2 =	vmul.f32 @!p0 v2, v3;
	_ =	sdelay $0x1  }
0x1b5: {  	[tilespmem:s16+$0xA0] =	vst @!p0 v2  }
0x1b6: {  	v2 =	vld.idx.msk @!p0 [tilespmem:v4+s17+$0x0], $0xffff;
	_ =	sdelay $0x2  }
0x1b7: {  	p1 =	slt.s32 s15, $0xFC  }
0x1b8: {  	s15 =	simm.s32 @!p1 $0xFC  }
0x1b9: {  	s15 =	sshll.u32 s15, $0x1;
	v2 =	vmul.f32 @!p0 v2, v3  }
0x1ba: {  	s15 =	sadd.s32 $0x6, s15  }
0x1bb: {  	s15 =	sand.u32 $0x1FE, s15;
	[tilespmem:s16+$0xB0] =	vst @!p0 v2  }
0x1bc: {  	v2 =	vld [tilespmem:s15+$0x0];
	_ =	sdelay $0x4  }
0x1bd: {  	vm14 =	vgt.s32 v2, $0x7A120  }
0x1be: {  	v3 =	vsel vm14, $0xFFF85EDF, v0  }
0x1bf: {  	v2 =	vadd.s32 v2, v3  }
0x1c0: {  	vm15 =	vgt.s32 v2, $0x0  }
0x1c1: {  	v3 =	vsel vm14, $0x1, v1;
	v2 =	vnsel vm15, $0x0, v2  }
0x1c2: {  	(v2sf) =	vpush v3, $0x0;
	v2 =	vmin.u32 v2, $0x7A11F  }
0x1c3: {  	(v2sf) =	vpush v3, $0x1;
	v2 =	vand.u32 $0x7FF80, v2  }
0x1c4: {  	(v2sf) =	vpush v2, $0x0  }
0x1c5: {  	(v2sf) =	vpush v2, $0x1;
	_ =	sdelay $0xb  }
0x1c6: {  	s19 =	smov.u32 s3;
	s18 =	smov.u32 s3;
	s24 =	spop (v2sf)  }
0x1c7: {  	s28 =	rddreg [dreg:$0x7];
	p0 =	seq.s32 s24, $0x0;
	s26 =	spop (v2sf)  }
0x1c8: {  	p1 =	seq.s32 s26, $0x0;
	s18 =	smov.u32 @p0 s1;
	s29 =	spop (v2sf)  }
0x1c9: {  	s19 =	smov.u32 @p1 s1;
	s15 =	sadd.s32 s18, s29;
	s30 =	spop (v2sf)  }
0x1ca: {  	[tilespmem:s28], [sflag:$0x2] =	stream.strided.gather [hbm4b:s15+s9], $0x2000, s10, s9, $0x38;
	[tilespmem:$0x18280] =	vst v63  }
0x1cb: {  	s25 =	rddreg [dreg:$0x8];
	s31 =	sadd.s32 s19, s30  }
0x1cc: {  	[tilespmem:s25], [sflag:$0x2] =	stream.strided.gather [hbm4b:s31+s9], $0x2000, s10, s9, $0x38;
	[tilespmem:$0x18280] =	vst v63  }
0x1cd: {  	_ =	swait.ge [sflag:s11], $0x2000  }
0x1ce: {  	[sflag:s11] =	ssyncset.done $0x0  }
0x1cf: {  	[sflag:s11] =	ssyncadd.s32 $0xFFFFE000  }
0x1d0: {  	_ =	swait.ge [sflag:s11], $0x2000  }
0x1d1: {  	[sflag:s11] =	ssyncset.done $0x0  }
0x1d2: {  	[sflag:s11] =	ssyncadd.s32 $0xFFFFE000  }
0x1d3: {  	_ =	swait.ge [sflag:s12], $0x2000  }
0x1d4: {  	[sflag:s12] =	ssyncset.done $0x0  }
0x1d5: {  	[sflag:s12] =	ssyncadd.s32 $0xFFFFE000  }
0x1d6: {  	s14 =	sadd.s32 $0x1, s14;
	_ =	swait.ge [sflag:s12], $0x2000  }
0x1d7: {  	p0 =	sne.s32 s14, s7;
	[sflag:s12] =	ssyncset.done $0x0  }
.Ltmp1:
0x1d8: {  	[sflag:s12] =	ssyncadd.s32 $0xFFFFE000;
	(pc) =	sbr.rel @p0 .LBB2_1-.Ltmp1, $4  }
0x1d9: {  	[hbm4b:s6+s4] =	stream.linear.scatter [tilespmem:s13], [sflag:$0x3], $0x10000, $0x38;
	[tilespmem:$0x18280] =	vst v63  }
0x1da: {  	_ =	swait.ge [sflag:s8], $0x10000  }
0x1db: {  	[sflag:s8] =	ssyncset.done $0x0  }
0x1dc: {  	[sflag:s8] =	ssyncadd.s32 $0xFFFF0000  }
0x1dd: {  	_ =	sfence.sel $0x180000  }
0x1de: {  	[bflag:$0x0] =	sbarrier.arrive $0xFFFF  }
0x1df: {  	p0 =	sne.s32 s2, $0x0;
	_ =	strace $0x90000047  }
0x1e0: {  	s0 =	sadd.s32 @!p0 $0x100000, s0;
	[bflag:$0x2] =	sbarrier.arrive $0xFFFF  }
0x1e1: {  	[sflag:s0] =	ssyncadd.tile.s32 @!p0 $0x1;
	_ =	shalt  }
.Lfunc_end2:
_tile_overlayer_lowered:
.L_overlay_start_2:
0x1e2: {  	(tag) =	ssettag $0x2  }
0x1e3: {  	s0 =	rddreg [dreg:$0x0];
	s2 =	stileid.u32  }
0x1e4: {  	s1 =	rddreg [dreg:$0x1];
	p0 =	sne.s32 s2, $0x0  }
0x1e5: {  	s3 =	rddreg [dreg:$0x2];
	[bflag:$0x3] =	sbarrier.arrive $0xFFFF;
	s2 =	simm.s32 @!p0 $0x1C03  }
0x1e6: {  	[timem:s3], [sflag:s2] =	dma.local @!p0 [hbm:s0], s1  }
0x1e7: {  	s0 =	simm.s32 @!p0 $0x3  }
0x1e8: {  	_ =	swait.ge @!p0 [sflag:s0], s1  }
0x1e9: {  	s1 =	ssub.s32 @!p0 $0x0, s1;
	[sflag:s0] =	ssyncset.done @!p0 $0x0  }
0x1ea: {  	[sflag:s0] =	ssyncadd.s32 @!p0 s1  }
0x1eb: {  	[bflag:$0x3] =	sbarrier.arrive $0xFFFF  }
0x1ec: {  	_ =	shalt  }

</sc_bundles>
